<compile_context>
chip_gen: v7x
topology: tpu7x:2x2x1
jax: 0.10.2.dev20260603
libtpu: 0.0.44.dev20260713+nightly
codegen_flags: <defaults>
</compile_context>

<pallas_src>
import functools

import jax
import jax.numpy as jnp
from jax import lax
from jax.experimental import pallas as pl
from jax.experimental.pallas import tpu as pltpu
from jax.experimental.pallas import tpu_sc as plsc


def _lane_perm_idx():
    i = lax.iota(jnp.int32, 16)
    return jnp.where(i == 1, i + 1, jnp.where(i == 2, i - 1, i))


_GATHER_DNUMS = lax.GatherDimensionNumbers(
    offset_dims=(), collapsed_slice_dims=(0,), start_index_map=(0,)
)


def _make_sc_kernel():
    mesh = plsc.VectorSubcoreMesh(core_axis_name="c", subcore_axis_name="s")

    @functools.partial(
        pl.kernel,
        mesh=mesh,
        out_type=jax.ShapeDtypeStruct((64, 16), jnp.float32),
        scratch_types=[
            pltpu.VMEM((8, 16), jnp.float32),
            pltpu.VMEM((8, 16), jnp.float32),
            pltpu.SemaphoreType.DMA((8,)),
        ],
    )
    def k(xt_hbm, out_hbm, slab_v, out_v, sems):
        cid = lax.axis_index("c")
        sid = lax.axis_index("s")
        wid = cid * 16 + sid

        @pl.when(wid < 8)
        def _():
            base = wid * 8
            copies = []
            for r in range(8):
                copies.append(
                    pltpu.async_copy(
                        xt_hbm.at[base + r, pl.ds(0, 16)],
                        slab_v.at[r],
                        sems.at[r],
                    )
                )
            for c in copies:
                c.wait()
            perm = _lane_perm_idx().reshape(16, 1)
            for r in range(8):
                vec = slab_v[r, pl.ds(0, 16)]
                shuf = lax.gather(
                    vec,
                    perm,
                    dimension_numbers=_GATHER_DNUMS,
                    slice_sizes=(1,),
                    mode=lax.GatherScatterMode.PROMISE_IN_BOUNDS,
                )
                out_v[r, pl.ds(0, 16)] = shuf
            pltpu.sync_copy(out_v, out_hbm.at[pl.ds(base, 8)])

    return k


_sc_kernel = _make_sc_kernel()


def kernel(x):
    xt = x.T
    out_t = _sc_kernel(xt)
    return out_t[:, :4].T.reshape(1, 2, 2, 64)

# --- scband reference (transcript-rebuilt; emitter-appended) ---
"""Pipeline reference for scband-tensor-indexing-model-29429115912333 (READ-ONLY COPY).

The authoritative reference and input builder live on the scoring server;
editing this copy changes nothing except your own understanding.
"""

import jax, jax.numpy as jnp
import numpy as np


def setup_inputs(seed: int = 0) -> dict:
    key = jax.random.key(seed)
    x = jax.random.normal(key, (1000000, 64), dtype=jnp.float32)
    return {"x": x}


def reference(x):
    # The torch module does transform(x, [[[0, 2], [1, 3]]]).
    # index_arg = [[[0,2],[1,3]]] is a single advanced index (top-level len == 1),
    # equivalent to x[[[0,2],[1,3]]] -> fancy index of shape (1, 2, 2),
    # producing output shape (1, 2, 2) + x.shape[1:].
    idx = jnp.array([[[0, 2], [1, 3]]], dtype=jnp.int64)  # shape (1, 2, 2)
    flat = idx.reshape(-1)
    picked = jnp.take(x, flat, axis=0)  # gather rows, like torch.index_select
    final_shape = tuple(idx.shape) + tuple(x.shape[1:])
    return picked.reshape(final_shape)

if __name__ == "__main__":
    import jax
    _d = setup_inputs()
    print(jax.jit(kernel)(*tuple(_d.values())))

</pallas_src>

<mosaic_0001>
#map = affine_map<(d0, d1) -> (0, 0)>
module attributes {stable_mosaic.version = 14 : i64} {
  func.func @k(%arg0: i32, %arg1: i32, %arg2: memref<64x1000000xf32, #tpu.memory_space<hbm>>, %arg3: memref<64x16xf32, #tpu.memory_space<hbm>>, %arg4: memref<8x16xf32, #tpu.memory_space<vmem>>, %arg5: memref<8x16xf32, #tpu.memory_space<vmem>>, %arg6: memref<8x!tpu.dma_semaphore, #tpu.memory_space<semaphore_mem>>) attributes {dimension_semantics = [#tpu.dimension_semantics<core_parallel>, #tpu.dimension_semantics<subcore_parallel>], iteration_bounds = array<i64: 2, 16>, scalar_prefetch = 0 : i64, scratch_operands = 3 : i64, tpu.core_type = #tpu.core_type<sc_vector_subcore>, window_params = [{transform_indices = #map}, {transform_indices = #map}]} {
    %mul3A = arith.constant 16 : i32
    %mul3A_0 = arith.muli %arg0, %mul3A : i32
    %add3A = arith.addi %mul3A_0, %arg1 : i32
    %lt3A = arith.constant 8 : i32
    %lt3A_1 = arith.cmpi slt, %add3A, %lt3A : i32
    %convert_element_type3A = arith.extui %lt3A_1 : i1 to i32
    %cond3A = arith.constant 0 : i32
    %cond3A_2 = arith.cmpi ne, %convert_element_type3A, %cond3A : i32
    scf.if %cond3A_2 {
      %mul3A_3 = arith.constant 8 : i32
      %mul3A_4 = arith.muli %add3A, %mul3A_3 : i32
      %add3A_5 = arith.constant 0 : i32
      %add3A_6 = arith.addi %mul3A_4, %add3A_5 : i32
      %dma_start3A = arith.constant 0 : i32
      %dma_start3A_7 = arith.constant 0 : i32
      %dma_start3A_8 = arith.constant 0 : i32
      %dma_start3A_9 = tpu.memref_slice %arg4[%dma_start3A, %dma_start3A_8] : memref<8x16xf32, #tpu.memory_space<vmem>> -> memref<1x16xf32, #tpu.memory_space<vmem>>
      %dma_start3A_10 = tpu.memref_squeeze %dma_start3A_9 : memref<1x16xf32, #tpu.memory_space<vmem>> -> memref<16xf32, #tpu.memory_space<vmem>>
      %dma_start3A_11 = arith.constant 0 : i32
      %dma_start3A_12 = tpu.memref_slice %arg2[%add3A_6, %dma_start3A_11] : memref<64x1000000xf32, #tpu.memory_space<hbm>> -> memref<1x16xf32, #tpu.memory_space<hbm>>
      %dma_start3A_13 = tpu.memref_squeeze %dma_start3A_12 : memref<1x16xf32, #tpu.memory_space<hbm>> -> memref<16xf32, #tpu.memory_space<hbm>>
      %dma_start3A_14 = tpu.memref_slice %arg6[%dma_start3A_7] : memref<8x!tpu.dma_semaphore, #tpu.memory_space<semaphore_mem>> -> memref<1x!tpu.dma_semaphore, #tpu.memory_space<semaphore_mem>>
      %dma_start3A_15 = tpu.memref_squeeze %dma_start3A_14 : memref<1x!tpu.dma_semaphore, #tpu.memory_space<semaphore_mem>> -> memref<!tpu.dma_semaphore, #tpu.memory_space<semaphore_mem>>
      %dma_start3A_16 = arith.constant 0 : i32
      %dma_start3A_17 = tpu.memref_slice %arg4[%dma_start3A, %dma_start3A_16] : memref<8x16xf32, #tpu.memory_space<vmem>> -> memref<1x16xf32, #tpu.memory_space<vmem>>
      %dma_start3A_18 = tpu.memref_squeeze %dma_start3A_17 : memref<1x16xf32, #tpu.memory_space<vmem>> -> memref<16xf32, #tpu.memory_space<vmem>>
      %dma_start3A_19 = arith.constant 0 : i32
      %dma_start3A_20 = tpu.memref_slice %arg2[%add3A_6, %dma_start3A_19] : memref<64x1000000xf32, #tpu.memory_space<hbm>> -> memref<1x16xf32, #tpu.memory_space<hbm>>
      %dma_start3A_21 = tpu.memref_squeeze %dma_start3A_20 : memref<1x16xf32, #tpu.memory_space<hbm>> -> memref<16xf32, #tpu.memory_space<hbm>>
      tpu.enqueue_dma source(%dma_start3A_21 : memref<16xf32, #tpu.memory_space<hbm>>) target(%dma_start3A_18 : memref<16xf32, #tpu.memory_space<vmem>>) target_semaphore(%dma_start3A_15 : memref<!tpu.dma_semaphore, #tpu.memory_space<semaphore_mem>>)
      %add3A_22 = arith.constant 1 : i32
      %add3A_23 = arith.addi %mul3A_4, %add3A_22 : i32
      %dma_start3A_24 = arith.constant 1 : i32
      %dma_start3A_25 = arith.constant 1 : i32
      %dma_start3A_26 = arith.constant 0 : i32
      %dma_start3A_27 = tpu.memref_slice %arg4[%dma_start3A_24, %dma_start3A_26] : memref<8x16xf32, #tpu.memory_space<vmem>> -> memref<1x16xf32, #tpu.memory_space<vmem>>
      %dma_start3A_28 = tpu.memref_squeeze %dma_start3A_27 : memref<1x16xf32, #tpu.memory_space<vmem>> -> memref<16xf32, #tpu.memory_space<vmem>>
      %dma_start3A_29 = arith.constant 0 : i32
      %dma_start3A_30 = tpu.memref_slice %arg2[%add3A_23, %dma_start3A_29] : memref<64x1000000xf32, #tpu.memory_space<hbm>> -> memref<1x16xf32, #tpu.memory_space<hbm>>
      %dma_start3A_31 = tpu.memref_squeeze %dma_start3A_30 : memref<1x16xf32, #tpu.memory_space<hbm>> -> memref<16xf32, #tpu.memory_space<hbm>>
      %dma_start3A_32 = tpu.memref_slice %arg6[%dma_start3A_25] : memref<8x!tpu.dma_semaphore, #tpu.memory_space<semaphore_mem>> -> memref<1x!tpu.dma_semaphore, #tpu.memory_space<semaphore_mem>>
      %dma_start3A_33 = tpu.memref_squeeze %dma_start3A_32 : memref<1x!tpu.dma_semaphore, #tpu.memory_space<semaphore_mem>> -> memref<!tpu.dma_semaphore, #tpu.memory_space<semaphore_mem>>
      %dma_start3A_34 = arith.constant 0 : i32
      %dma_start3A_35 = tpu.memref_slice %arg4[%dma_start3A_24, %dma_start3A_34] : memref<8x16xf32, #tpu.memory_space<vmem>> -> memref<1x16xf32, #tpu.memory_space<vmem>>
      %dma_start3A_36 = tpu.memref_squeeze %dma_start3A_35 : memref<1x16xf32, #tpu.memory_space<vmem>> -> memref<16xf32, #tpu.memory_space<vmem>>
      %dma_start3A_37 = arith.constant 0 : i32
      %dma_start3A_38 = tpu.memref_slice %arg2[%add3A_23, %dma_start3A_37] : memref<64x1000000xf32, #tpu.memory_space<hbm>> -> memref<1x16xf32, #tpu.memory_space<hbm>>
      %dma_start3A_39 = tpu.memref_squeeze %dma_start3A_38 : memref<1x16xf32, #tpu.memory_space<hbm>> -> memref<16xf32, #tpu.memory_space<hbm>>
      tpu.enqueue_dma source(%dma_start3A_39 : memref<16xf32, #tpu.memory_space<hbm>>) target(%dma_start3A_36 : memref<16xf32, #tpu.memory_space<vmem>>) target_semaphore(%dma_start3A_33 : memref<!tpu.dma_semaphore, #tpu.memory_space<semaphore_mem>>)
      %add3A_40 = arith.constant 2 : i32
      %add3A_41 = arith.addi %mul3A_4, %add3A_40 : i32
      %dma_start3A_42 = arith.constant 2 : i32
      %dma_start3A_43 = arith.constant 2 : i32
      %dma_start3A_44 = arith.constant 0 : i32
      %dma_start3A_45 = tpu.memref_slice %arg4[%dma_start3A_42, %dma_start3A_44] : memref<8x16xf32, #tpu.memory_space<vmem>> -> memref<1x16xf32, #tpu.memory_space<vmem>>
      %dma_start3A_46 = tpu.memref_squeeze %dma_start3A_45 : memref<1x16xf32, #tpu.memory_space<vmem>> -> memref<16xf32, #tpu.memory_space<vmem>>
      %dma_start3A_47 = arith.constant 0 : i32
      %dma_start3A_48 = tpu.memref_slice %arg2[%add3A_41, %dma_start3A_47] : memref<64x1000000xf32, #tpu.memory_space<hbm>> -> memref<1x16xf32, #tpu.memory_space<hbm>>
      %dma_start3A_49 = tpu.memref_squeeze %dma_start3A_48 : memref<1x16xf32, #tpu.memory_space<hbm>> -> memref<16xf32, #tpu.memory_space<hbm>>
      %dma_start3A_50 = tpu.memref_slice %arg6[%dma_start3A_43] : memref<8x!tpu.dma_semaphore, #tpu.memory_space<semaphore_mem>> -> memref<1x!tpu.dma_semaphore, #tpu.memory_space<semaphore_mem>>
      %dma_start3A_51 = tpu.memref_squeeze %dma_start3A_50 : memref<1x!tpu.dma_semaphore, #tpu.memory_space<semaphore_mem>> -> memref<!tpu.dma_semaphore, #tpu.memory_space<semaphore_mem>>
      %dma_start3A_52 = arith.constant 0 : i32
      %dma_start3A_53 = tpu.memref_slice %arg4[%dma_start3A_42, %dma_start3A_52] : memref<8x16xf32, #tpu.memory_space<vmem>> -> memref<1x16xf32, #tpu.memory_space<vmem>>
      %dma_start3A_54 = tpu.memref_squeeze %dma_start3A_53 : memref<1x16xf32, #tpu.memory_space<vmem>> -> memref<16xf32, #tpu.memory_space<vmem>>
      %dma_start3A_55 = arith.constant 0 : i32
      %dma_start3A_56 = tpu.memref_slice %arg2[%add3A_41, %dma_start3A_55] : memref<64x1000000xf32, #tpu.memory_space<hbm>> -> memref<1x16xf32, #tpu.memory_space<hbm>>
      %dma_start3A_57 = tpu.memref_squeeze %dma_start3A_56 : memref<1x16xf32, #tpu.memory_space<hbm>> -> memref<16xf32, #tpu.memory_space<hbm>>
      tpu.enqueue_dma source(%dma_start3A_57 : memref<16xf32, #tpu.memory_space<hbm>>) target(%dma_start3A_54 : memref<16xf32, #tpu.memory_space<vmem>>) target_semaphore(%dma_start3A_51 : memref<!tpu.dma_semaphore, #tpu.memory_space<semaphore_mem>>)
      %add3A_58 = arith.constant 3 : i32
      %add3A_59 = arith.addi %mul3A_4, %add3A_58 : i32
      %dma_start3A_60 = arith.constant 3 : i32
      %dma_start3A_61 = arith.constant 3 : i32
      %dma_start3A_62 = arith.constant 0 : i32
      %dma_start3A_63 = tpu.memref_slice %arg4[%dma_start3A_60, %dma_start3A_62] : memref<8x16xf32, #tpu.memory_space<vmem>> -> memref<1x16xf32, #tpu.memory_space<vmem>>
      %dma_start3A_64 = tpu.memref_squeeze %dma_start3A_63 : memref<1x16xf32, #tpu.memory_space<vmem>> -> memref<16xf32, #tpu.memory_space<vmem>>
      %dma_start3A_65 = arith.constant 0 : i32
      %dma_start3A_66 = tpu.memref_slice %arg2[%add3A_59, %dma_start3A_65] : memref<64x1000000xf32, #tpu.memory_space<hbm>> -> memref<1x16xf32, #tpu.memory_space<hbm>>
      %dma_start3A_67 = tpu.memref_squeeze %dma_start3A_66 : memref<1x16xf32, #tpu.memory_space<hbm>> -> memref<16xf32, #tpu.memory_space<hbm>>
      %dma_start3A_68 = tpu.memref_slice %arg6[%dma_start3A_61] : memref<8x!tpu.dma_semaphore, #tpu.memory_space<semaphore_mem>> -> memref<1x!tpu.dma_semaphore, #tpu.memory_space<semaphore_mem>>
      %dma_start3A_69 = tpu.memref_squeeze %dma_start3A_68 : memref<1x!tpu.dma_semaphore, #tpu.memory_space<semaphore_mem>> -> memref<!tpu.dma_semaphore, #tpu.memory_space<semaphore_mem>>
      %dma_start3A_70 = arith.constant 0 : i32
      %dma_start3A_71 = tpu.memref_slice %arg4[%dma_start3A_60, %dma_start3A_70] : memref<8x16xf32, #tpu.memory_space<vmem>> -> memref<1x16xf32, #tpu.memory_space<vmem>>
      %dma_start3A_72 = tpu.memref_squeeze %dma_start3A_71 : memref<1x16xf32, #tpu.memory_space<vmem>> -> memref<16xf32, #tpu.memory_space<vmem>>
      %dma_start3A_73 = arith.constant 0 : i32
      %dma_start3A_74 = tpu.memref_slice %arg2[%add3A_59, %dma_start3A_73] : memref<64x1000000xf32, #tpu.memory_space<hbm>> -> memref<1x16xf32, #tpu.memory_space<hbm>>
      %dma_start3A_75 = tpu.memref_squeeze %dma_start3A_74 : memref<1x16xf32, #tpu.memory_space<hbm>> -> memref<16xf32, #tpu.memory_space<hbm>>
      tpu.enqueue_dma source(%dma_start3A_75 : memref<16xf32, #tpu.memory_space<hbm>>) target(%dma_start3A_72 : memref<16xf32, #tpu.memory_space<vmem>>) target_semaphore(%dma_start3A_69 : memref<!tpu.dma_semaphore, #tpu.memory_space<semaphore_mem>>)
      %add3A_76 = arith.constant 4 : i32
      %add3A_77 = arith.addi %mul3A_4, %add3A_76 : i32
      %dma_start3A_78 = arith.constant 4 : i32
      %dma_start3A_79 = arith.constant 4 : i32
      %dma_start3A_80 = arith.constant 0 : i32
      %dma_start3A_81 = tpu.memref_slice %arg4[%dma_start3A_78, %dma_start3A_80] : memref<8x16xf32, #tpu.memory_space<vmem>> -> memref<1x16xf32, #tpu.memory_space<vmem>>
      %dma_start3A_82 = tpu.memref_squeeze %dma_start3A_81 : memref<1x16xf32, #tpu.memory_space<vmem>> -> memref<16xf32, #tpu.memory_space<vmem>>
      %dma_start3A_83 = arith.constant 0 : i32
      %dma_start3A_84 = tpu.memref_slice %arg2[%add3A_77, %dma_start3A_83] : memref<64x1000000xf32, #tpu.memory_space<hbm>> -> memref<1x16xf32, #tpu.memory_space<hbm>>
      %dma_start3A_85 = tpu.memref_squeeze %dma_start3A_84 : memref<1x16xf32, #tpu.memory_space<hbm>> -> memref<16xf32, #tpu.memory_space<hbm>>
      %dma_start3A_86 = tpu.memref_slice %arg6[%dma_start3A_79] : memref<8x!tpu.dma_semaphore, #tpu.memory_space<semaphore_mem>> -> memref<1x!tpu.dma_semaphore, #tpu.memory_space<semaphore_mem>>
      %dma_start3A_87 = tpu.memref_squeeze %dma_start3A_86 : memref<1x!tpu.dma_semaphore, #tpu.memory_space<semaphore_mem>> -> memref<!tpu.dma_semaphore, #tpu.memory_space<semaphore_mem>>
      %dma_start3A_88 = arith.constant 0 : i32
      %dma_start3A_89 = tpu.memref_slice %arg4[%dma_start3A_78, %dma_start3A_88] : memref<8x16xf32, #tpu.memory_space<vmem>> -> memref<1x16xf32, #tpu.memory_space<vmem>>
      %dma_start3A_90 = tpu.memref_squeeze %dma_start3A_89 : memref<1x16xf32, #tpu.memory_space<vmem>> -> memref<16xf32, #tpu.memory_space<vmem>>
      %dma_start3A_91 = arith.constant 0 : i32
      %dma_start3A_92 = tpu.memref_slice %arg2[%add3A_77, %dma_start3A_91] : memref<64x1000000xf32, #tpu.memory_space<hbm>> -> memref<1x16xf32, #tpu.memory_space<hbm>>
      %dma_start3A_93 = tpu.memref_squeeze %dma_start3A_92 : memref<1x16xf32, #tpu.memory_space<hbm>> -> memref<16xf32, #tpu.memory_space<hbm>>
      tpu.enqueue_dma source(%dma_start3A_93 : memref<16xf32, #tpu.memory_space<hbm>>) target(%dma_start3A_90 : memref<16xf32, #tpu.memory_space<vmem>>) target_semaphore(%dma_start3A_87 : memref<!tpu.dma_semaphore, #tpu.memory_space<semaphore_mem>>)
      %add3A_94 = arith.constant 5 : i32
      %add3A_95 = arith.addi %mul3A_4, %add3A_94 : i32
      %dma_start3A_96 = arith.constant 5 : i32
      %dma_start3A_97 = arith.constant 5 : i32
      %dma_start3A_98 = arith.constant 0 : i32
      %dma_start3A_99 = tpu.memref_slice %arg4[%dma_start3A_96, %dma_start3A_98] : memref<8x16xf32, #tpu.memory_space<vmem>> -> memref<1x16xf32, #tpu.memory_space<vmem>>
      %dma_start3A_100 = tpu.memref_squeeze %dma_start3A_99 : memref<1x16xf32, #tpu.memory_space<vmem>> -> memref<16xf32, #tpu.memory_space<vmem>>
      %dma_start3A_101 = arith.constant 0 : i32
      %dma_start3A_102 = tpu.memref_slice %arg2[%add3A_95, %dma_start3A_101] : memref<64x1000000xf32, #tpu.memory_space<hbm>> -> memref<1x16xf32, #tpu.memory_space<hbm>>
      %dma_start3A_103 = tpu.memref_squeeze %dma_start3A_102 : memref<1x16xf32, #tpu.memory_space<hbm>> -> memref<16xf32, #tpu.memory_space<hbm>>
      %dma_start3A_104 = tpu.memref_slice %arg6[%dma_start3A_97] : memref<8x!tpu.dma_semaphore, #tpu.memory_space<semaphore_mem>> -> memref<1x!tpu.dma_semaphore, #tpu.memory_space<semaphore_mem>>
      %dma_start3A_105 = tpu.memref_squeeze %dma_start3A_104 : memref<1x!tpu.dma_semaphore, #tpu.memory_space<semaphore_mem>> -> memref<!tpu.dma_semaphore, #tpu.memory_space<semaphore_mem>>
      %dma_start3A_106 = arith.constant 0 : i32
      %dma_start3A_107 = tpu.memref_slice %arg4[%dma_start3A_96, %dma_start3A_106] : memref<8x16xf32, #tpu.memory_space<vmem>> -> memref<1x16xf32, #tpu.memory_space<vmem>>
      %dma_start3A_108 = tpu.memref_squeeze %dma_start3A_107 : memref<1x16xf32, #tpu.memory_space<vmem>> -> memref<16xf32, #tpu.memory_space<vmem>>
      %dma_start3A_109 = arith.constant 0 : i32
      %dma_start3A_110 = tpu.memref_slice %arg2[%add3A_95, %dma_start3A_109] : memref<64x1000000xf32, #tpu.memory_space<hbm>> -> memref<1x16xf32, #tpu.memory_space<hbm>>
      %dma_start3A_111 = tpu.memref_squeeze %dma_start3A_110 : memref<1x16xf32, #tpu.memory_space<hbm>> -> memref<16xf32, #tpu.memory_space<hbm>>
      tpu.enqueue_dma source(%dma_start3A_111 : memref<16xf32, #tpu.memory_space<hbm>>) target(%dma_start3A_108 : memref<16xf32, #tpu.memory_space<vmem>>) target_semaphore(%dma_start3A_105 : memref<!tpu.dma_semaphore, #tpu.memory_space<semaphore_mem>>)
      %add3A_112 = arith.constant 6 : i32
      %add3A_113 = arith.addi %mul3A_4, %add3A_112 : i32
      %dma_start3A_114 = arith.constant 6 : i32
      %dma_start3A_115 = arith.constant 6 : i32
      %dma_start3A_116 = arith.constant 0 : i32
      %dma_start3A_117 = tpu.memref_slice %arg4[%dma_start3A_114, %dma_start3A_116] : memref<8x16xf32, #tpu.memory_space<vmem>> -> memref<1x16xf32, #tpu.memory_space<vmem>>
      %dma_start3A_118 = tpu.memref_squeeze %dma_start3A_117 : memref<1x16xf32, #tpu.memory_space<vmem>> -> memref<16xf32, #tpu.memory_space<vmem>>
      %dma_start3A_119 = arith.constant 0 : i32
      %dma_start3A_120 = tpu.memref_slice %arg2[%add3A_113, %dma_start3A_119] : memref<64x1000000xf32, #tpu.memory_space<hbm>> -> memref<1x16xf32, #tpu.memory_space<hbm>>
      %dma_start3A_121 = tpu.memref_squeeze %dma_start3A_120 : memref<1x16xf32, #tpu.memory_space<hbm>> -> memref<16xf32, #tpu.memory_space<hbm>>
      %dma_start3A_122 = tpu.memref_slice %arg6[%dma_start3A_115] : memref<8x!tpu.dma_semaphore, #tpu.memory_space<semaphore_mem>> -> memref<1x!tpu.dma_semaphore, #tpu.memory_space<semaphore_mem>>
      %dma_start3A_123 = tpu.memref_squeeze %dma_start3A_122 : memref<1x!tpu.dma_semaphore, #tpu.memory_space<semaphore_mem>> -> memref<!tpu.dma_semaphore, #tpu.memory_space<semaphore_mem>>
      %dma_start3A_124 = arith.constant 0 : i32
      %dma_start3A_125 = tpu.memref_slice %arg4[%dma_start3A_114, %dma_start3A_124] : memref<8x16xf32, #tpu.memory_space<vmem>> -> memref<1x16xf32, #tpu.memory_space<vmem>>
      %dma_start3A_126 = tpu.memref_squeeze %dma_start3A_125 : memref<1x16xf32, #tpu.memory_space<vmem>> -> memref<16xf32, #tpu.memory_space<vmem>>
      %dma_start3A_127 = arith.constant 0 : i32
      %dma_start3A_128 = tpu.memref_slice %arg2[%add3A_113, %dma_start3A_127] : memref<64x1000000xf32, #tpu.memory_space<hbm>> -> memref<1x16xf32, #tpu.memory_space<hbm>>
      %dma_start3A_129 = tpu.memref_squeeze %dma_start3A_128 : memref<1x16xf32, #tpu.memory_space<hbm>> -> memref<16xf32, #tpu.memory_space<hbm>>
      tpu.enqueue_dma source(%dma_start3A_129 : memref<16xf32, #tpu.memory_space<hbm>>) target(%dma_start3A_126 : memref<16xf32, #tpu.memory_space<vmem>>) target_semaphore(%dma_start3A_123 : memref<!tpu.dma_semaphore, #tpu.memory_space<semaphore_mem>>)
      %add3A_130 = arith.constant 7 : i32
      %add3A_131 = arith.addi %mul3A_4, %add3A_130 : i32
      %dma_start3A_132 = arith.constant 7 : i32
      %dma_start3A_133 = arith.constant 7 : i32
      %dma_start3A_134 = arith.constant 0 : i32
      %dma_start3A_135 = tpu.memref_slice %arg4[%dma_start3A_132, %dma_start3A_134] : memref<8x16xf32, #tpu.memory_space<vmem>> -> memref<1x16xf32, #tpu.memory_space<vmem>>
      %dma_start3A_136 = tpu.memref_squeeze %dma_start3A_135 : memref<1x16xf32, #tpu.memory_space<vmem>> -> memref<16xf32, #tpu.memory_space<vmem>>
      %dma_start3A_137 = arith.constant 0 : i32
      %dma_start3A_138 = tpu.memref_slice %arg2[%add3A_131, %dma_start3A_137] : memref<64x1000000xf32, #tpu.memory_space<hbm>> -> memref<1x16xf32, #tpu.memory_space<hbm>>
      %dma_start3A_139 = tpu.memref_squeeze %dma_start3A_138 : memref<1x16xf32, #tpu.memory_space<hbm>> -> memref<16xf32, #tpu.memory_space<hbm>>
      %dma_start3A_140 = tpu.memref_slice %arg6[%dma_start3A_133] : memref<8x!tpu.dma_semaphore, #tpu.memory_space<semaphore_mem>> -> memref<1x!tpu.dma_semaphore, #tpu.memory_space<semaphore_mem>>
      %dma_start3A_141 = tpu.memref_squeeze %dma_start3A_140 : memref<1x!tpu.dma_semaphore, #tpu.memory_space<semaphore_mem>> -> memref<!tpu.dma_semaphore, #tpu.memory_space<semaphore_mem>>
      %dma_start3A_142 = arith.constant 0 : i32
      %dma_start3A_143 = tpu.memref_slice %arg4[%dma_start3A_132, %dma_start3A_142] : memref<8x16xf32, #tpu.memory_space<vmem>> -> memref<1x16xf32, #tpu.memory_space<vmem>>
      %dma_start3A_144 = tpu.memref_squeeze %dma_start3A_143 : memref<1x16xf32, #tpu.memory_space<vmem>> -> memref<16xf32, #tpu.memory_space<vmem>>
      %dma_start3A_145 = arith.constant 0 : i32
      %dma_start3A_146 = tpu.memref_slice %arg2[%add3A_131, %dma_start3A_145] : memref<64x1000000xf32, #tpu.memory_space<hbm>> -> memref<1x16xf32, #tpu.memory_space<hbm>>
      %dma_start3A_147 = tpu.memref_squeeze %dma_start3A_146 : memref<1x16xf32, #tpu.memory_space<hbm>> -> memref<16xf32, #tpu.memory_space<hbm>>
      tpu.enqueue_dma source(%dma_start3A_147 : memref<16xf32, #tpu.memory_space<hbm>>) target(%dma_start3A_144 : memref<16xf32, #tpu.memory_space<vmem>>) target_semaphore(%dma_start3A_141 : memref<!tpu.dma_semaphore, #tpu.memory_space<semaphore_mem>>)
      %dma_wait3A = arith.constant 0 : i32
      %dma_wait3A_148 = arith.constant 0 : i32
      %dma_wait3A_149 = arith.constant 0 : i32
      %dma_wait3A_150 = tpu.memref_slice %arg4[%dma_wait3A, %dma_wait3A_149] : memref<8x16xf32, #tpu.memory_space<vmem>> -> memref<1x16xf32, #tpu.memory_space<vmem>>
      %dma_wait3A_151 = tpu.memref_squeeze %dma_wait3A_150 : memref<1x16xf32, #tpu.memory_space<vmem>> -> memref<16xf32, #tpu.memory_space<vmem>>
      %dma_wait3A_152 = arith.constant 0 : i32
      %dma_wait3A_153 = tpu.memref_slice %arg2[%add3A_6, %dma_wait3A_152] : memref<64x1000000xf32, #tpu.memory_space<hbm>> -> memref<1x16xf32, #tpu.memory_space<hbm>>
      %dma_wait3A_154 = tpu.memref_squeeze %dma_wait3A_153 : memref<1x16xf32, #tpu.memory_space<hbm>> -> memref<16xf32, #tpu.memory_space<hbm>>
      %dma_wait3A_155 = tpu.memref_slice %arg6[%dma_wait3A_148] : memref<8x!tpu.dma_semaphore, #tpu.memory_space<semaphore_mem>> -> memref<1x!tpu.dma_semaphore, #tpu.memory_space<semaphore_mem>>
      %dma_wait3A_156 = tpu.memref_squeeze %dma_wait3A_155 : memref<1x!tpu.dma_semaphore, #tpu.memory_space<semaphore_mem>> -> memref<!tpu.dma_semaphore, #tpu.memory_space<semaphore_mem>>
      %dma_wait3A_157 = arith.constant 0 : i32
      %dma_wait3A_158 = tpu.memref_slice %arg4[%dma_wait3A, %dma_wait3A_157] : memref<8x16xf32, #tpu.memory_space<vmem>> -> memref<1x16xf32, #tpu.memory_space<vmem>>
      %dma_wait3A_159 = tpu.memref_squeeze %dma_wait3A_158 : memref<1x16xf32, #tpu.memory_space<vmem>> -> memref<16xf32, #tpu.memory_space<vmem>>
      %dma_wait3A_160 = arith.constant 0 : i32
      %dma_wait3A_161 = tpu.memref_slice %arg2[%add3A_6, %dma_wait3A_160] : memref<64x1000000xf32, #tpu.memory_space<hbm>> -> memref<1x16xf32, #tpu.memory_space<hbm>>
      %dma_wait3A_162 = tpu.memref_squeeze %dma_wait3A_161 : memref<1x16xf32, #tpu.memory_space<hbm>> -> memref<16xf32, #tpu.memory_space<hbm>>
      tpu.wait_dma2 semaphore(%dma_wait3A_156 : memref<!tpu.dma_semaphore, #tpu.memory_space<semaphore_mem>>) src(%dma_wait3A_162 : memref<16xf32, #tpu.memory_space<hbm>>) dst(%dma_wait3A_159 : memref<16xf32, #tpu.memory_space<vmem>>)
      %dma_wait3A_163 = arith.constant 1 : i32
      %dma_wait3A_164 = arith.constant 1 : i32
      %dma_wait3A_165 = arith.constant 0 : i32
      %dma_wait3A_166 = tpu.memref_slice %arg4[%dma_wait3A_163, %dma_wait3A_165] : memref<8x16xf32, #tpu.memory_space<vmem>> -> memref<1x16xf32, #tpu.memory_space<vmem>>
      %dma_wait3A_167 = tpu.memref_squeeze %dma_wait3A_166 : memref<1x16xf32, #tpu.memory_space<vmem>> -> memref<16xf32, #tpu.memory_space<vmem>>
      %dma_wait3A_168 = arith.constant 0 : i32
      %dma_wait3A_169 = tpu.memref_slice %arg2[%add3A_23, %dma_wait3A_168] : memref<64x1000000xf32, #tpu.memory_space<hbm>> -> memref<1x16xf32, #tpu.memory_space<hbm>>
      %dma_wait3A_170 = tpu.memref_squeeze %dma_wait3A_169 : memref<1x16xf32, #tpu.memory_space<hbm>> -> memref<16xf32, #tpu.memory_space<hbm>>
      %dma_wait3A_171 = tpu.memref_slice %arg6[%dma_wait3A_164] : memref<8x!tpu.dma_semaphore, #tpu.memory_space<semaphore_mem>> -> memref<1x!tpu.dma_semaphore, #tpu.memory_space<semaphore_mem>>
      %dma_wait3A_172 = tpu.memref_squeeze %dma_wait3A_171 : memref<1x!tpu.dma_semaphore, #tpu.memory_space<semaphore_mem>> -> memref<!tpu.dma_semaphore, #tpu.memory_space<semaphore_mem>>
      %dma_wait3A_173 = arith.constant 0 : i32
      %dma_wait3A_174 = tpu.memref_slice %arg4[%dma_wait3A_163, %dma_wait3A_173] : memref<8x16xf32, #tpu.memory_space<vmem>> -> memref<1x16xf32, #tpu.memory_space<vmem>>
      %dma_wait3A_175 = tpu.memref_squeeze %dma_wait3A_174 : memref<1x16xf32, #tpu.memory_space<vmem>> -> memref<16xf32, #tpu.memory_space<vmem>>
      %dma_wait3A_176 = arith.constant 0 : i32
      %dma_wait3A_177 = tpu.memref_slice %arg2[%add3A_23, %dma_wait3A_176] : memref<64x1000000xf32, #tpu.memory_space<hbm>> -> memref<1x16xf32, #tpu.memory_space<hbm>>
      %dma_wait3A_178 = tpu.memref_squeeze %dma_wait3A_177 : memref<1x16xf32, #tpu.memory_space<hbm>> -> memref<16xf32, #tpu.memory_space<hbm>>
      tpu.wait_dma2 semaphore(%dma_wait3A_172 : memref<!tpu.dma_semaphore, #tpu.memory_space<semaphore_mem>>) src(%dma_wait3A_178 : memref<16xf32, #tpu.memory_space<hbm>>) dst(%dma_wait3A_175 : memref<16xf32, #tpu.memory_space<vmem>>)
      %dma_wait3A_179 = arith.constant 2 : i32
      %dma_wait3A_180 = arith.constant 2 : i32
      %dma_wait3A_181 = arith.constant 0 : i32
      %dma_wait3A_182 = tpu.memref_slice %arg4[%dma_wait3A_179, %dma_wait3A_181] : memref<8x16xf32, #tpu.memory_space<vmem>> -> memref<1x16xf32, #tpu.memory_space<vmem>>
      %dma_wait3A_183 = tpu.memref_squeeze %dma_wait3A_182 : memref<1x16xf32, #tpu.memory_space<vmem>> -> memref<16xf32, #tpu.memory_space<vmem>>
      %dma_wait3A_184 = arith.constant 0 : i32
      %dma_wait3A_185 = tpu.memref_slice %arg2[%add3A_41, %dma_wait3A_184] : memref<64x1000000xf32, #tpu.memory_space<hbm>> -> memref<1x16xf32, #tpu.memory_space<hbm>>
      %dma_wait3A_186 = tpu.memref_squeeze %dma_wait3A_185 : memref<1x16xf32, #tpu.memory_space<hbm>> -> memref<16xf32, #tpu.memory_space<hbm>>
      %dma_wait3A_187 = tpu.memref_slice %arg6[%dma_wait3A_180] : memref<8x!tpu.dma_semaphore, #tpu.memory_space<semaphore_mem>> -> memref<1x!tpu.dma_semaphore, #tpu.memory_space<semaphore_mem>>
      %dma_wait3A_188 = tpu.memref_squeeze %dma_wait3A_187 : memref<1x!tpu.dma_semaphore, #tpu.memory_space<semaphore_mem>> -> memref<!tpu.dma_semaphore, #tpu.memory_space<semaphore_mem>>
      %dma_wait3A_189 = arith.constant 0 : i32
      %dma_wait3A_190 = tpu.memref_slice %arg4[%dma_wait3A_179, %dma_wait3A_189] : memref<8x16xf32, #tpu.memory_space<vmem>> -> memref<1x16xf32, #tpu.memory_space<vmem>>
      %dma_wait3A_191 = tpu.memref_squeeze %dma_wait3A_190 : memref<1x16xf32, #tpu.memory_space<vmem>> -> memref<16xf32, #tpu.memory_space<vmem>>
      %dma_wait3A_192 = arith.constant 0 : i32
      %dma_wait3A_193 = tpu.memref_slice %arg2[%add3A_41, %dma_wait3A_192] : memref<64x1000000xf32, #tpu.memory_space<hbm>> -> memref<1x16xf32, #tpu.memory_space<hbm>>
      %dma_wait3A_194 = tpu.memref_squeeze %dma_wait3A_193 : memref<1x16xf32, #tpu.memory_space<hbm>> -> memref<16xf32, #tpu.memory_space<hbm>>
      tpu.wait_dma2 semaphore(%dma_wait3A_188 : memref<!tpu.dma_semaphore, #tpu.memory_space<semaphore_mem>>) src(%dma_wait3A_194 : memref<16xf32, #tpu.memory_space<hbm>>) dst(%dma_wait3A_191 : memref<16xf32, #tpu.memory_space<vmem>>)
      %dma_wait3A_195 = arith.constant 3 : i32
      %dma_wait3A_196 = arith.constant 3 : i32
      %dma_wait3A_197 = arith.constant 0 : i32
      %dma_wait3A_198 = tpu.memref_slice %arg4[%dma_wait3A_195, %dma_wait3A_197] : memref<8x16xf32, #tpu.memory_space<vmem>> -> memref<1x16xf32, #tpu.memory_space<vmem>>
      %dma_wait3A_199 = tpu.memref_squeeze %dma_wait3A_198 : memref<1x16xf32, #tpu.memory_space<vmem>> -> memref<16xf32, #tpu.memory_space<vmem>>
      %dma_wait3A_200 = arith.constant 0 : i32
      %dma_wait3A_201 = tpu.memref_slice %arg2[%add3A_59, %dma_wait3A_200] : memref<64x1000000xf32, #tpu.memory_space<hbm>> -> memref<1x16xf32, #tpu.memory_space<hbm>>
      %dma_wait3A_202 = tpu.memref_squeeze %dma_wait3A_201 : memref<1x16xf32, #tpu.memory_space<hbm>> -> memref<16xf32, #tpu.memory_space<hbm>>
      %dma_wait3A_203 = tpu.memref_slice %arg6[%dma_wait3A_196] : memref<8x!tpu.dma_semaphore, #tpu.memory_space<semaphore_mem>> -> memref<1x!tpu.dma_semaphore, #tpu.memory_space<semaphore_mem>>
      %dma_wait3A_204 = tpu.memref_squeeze %dma_wait3A_203 : memref<1x!tpu.dma_semaphore, #tpu.memory_space<semaphore_mem>> -> memref<!tpu.dma_semaphore, #tpu.memory_space<semaphore_mem>>
      %dma_wait3A_205 = arith.constant 0 : i32
      %dma_wait3A_206 = tpu.memref_slice %arg4[%dma_wait3A_195, %dma_wait3A_205] : memref<8x16xf32, #tpu.memory_space<vmem>> -> memref<1x16xf32, #tpu.memory_space<vmem>>
      %dma_wait3A_207 = tpu.memref_squeeze %dma_wait3A_206 : memref<1x16xf32, #tpu.memory_space<vmem>> -> memref<16xf32, #tpu.memory_space<vmem>>
      %dma_wait3A_208 = arith.constant 0 : i32
      %dma_wait3A_209 = tpu.memref_slice %arg2[%add3A_59, %dma_wait3A_208] : memref<64x1000000xf32, #tpu.memory_space<hbm>> -> memref<1x16xf32, #tpu.memory_space<hbm>>
      %dma_wait3A_210 = tpu.memref_squeeze %dma_wait3A_209 : memref<1x16xf32, #tpu.memory_space<hbm>> -> memref<16xf32, #tpu.memory_space<hbm>>
      tpu.wait_dma2 semaphore(%dma_wait3A_204 : memref<!tpu.dma_semaphore, #tpu.memory_space<semaphore_mem>>) src(%dma_wait3A_210 : memref<16xf32, #tpu.memory_space<hbm>>) dst(%dma_wait3A_207 : memref<16xf32, #tpu.memory_space<vmem>>)
      %dma_wait3A_211 = arith.constant 4 : i32
      %dma_wait3A_212 = arith.constant 4 : i32
      %dma_wait3A_213 = arith.constant 0 : i32
      %dma_wait3A_214 = tpu.memref_slice %arg4[%dma_wait3A_211, %dma_wait3A_213] : memref<8x16xf32, #tpu.memory_space<vmem>> -> memref<1x16xf32, #tpu.memory_space<vmem>>
      %dma_wait3A_215 = tpu.memref_squeeze %dma_wait3A_214 : memref<1x16xf32, #tpu.memory_space<vmem>> -> memref<16xf32, #tpu.memory_space<vmem>>
      %dma_wait3A_216 = arith.constant 0 : i32
      %dma_wait3A_217 = tpu.memref_slice %arg2[%add3A_77, %dma_wait3A_216] : memref<64x1000000xf32, #tpu.memory_space<hbm>> -> memref<1x16xf32, #tpu.memory_space<hbm>>
      %dma_wait3A_218 = tpu.memref_squeeze %dma_wait3A_217 : memref<1x16xf32, #tpu.memory_space<hbm>> -> memref<16xf32, #tpu.memory_space<hbm>>
      %dma_wait3A_219 = tpu.memref_slice %arg6[%dma_wait3A_212] : memref<8x!tpu.dma_semaphore, #tpu.memory_space<semaphore_mem>> -> memref<1x!tpu.dma_semaphore, #tpu.memory_space<semaphore_mem>>
      %dma_wait3A_220 = tpu.memref_squeeze %dma_wait3A_219 : memref<1x!tpu.dma_semaphore, #tpu.memory_space<semaphore_mem>> -> memref<!tpu.dma_semaphore, #tpu.memory_space<semaphore_mem>>
      %dma_wait3A_221 = arith.constant 0 : i32
      %dma_wait3A_222 = tpu.memref_slice %arg4[%dma_wait3A_211, %dma_wait3A_221] : memref<8x16xf32, #tpu.memory_space<vmem>> -> memref<1x16xf32, #tpu.memory_space<vmem>>
      %dma_wait3A_223 = tpu.memref_squeeze %dma_wait3A_222 : memref<1x16xf32, #tpu.memory_space<vmem>> -> memref<16xf32, #tpu.memory_space<vmem>>
      %dma_wait3A_224 = arith.constant 0 : i32
      %dma_wait3A_225 = tpu.memref_slice %arg2[%add3A_77, %dma_wait3A_224] : memref<64x1000000xf32, #tpu.memory_space<hbm>> -> memref<1x16xf32, #tpu.memory_space<hbm>>
      %dma_wait3A_226 = tpu.memref_squeeze %dma_wait3A_225 : memref<1x16xf32, #tpu.memory_space<hbm>> -> memref<16xf32, #tpu.memory_space<hbm>>
      tpu.wait_dma2 semaphore(%dma_wait3A_220 : memref<!tpu.dma_semaphore, #tpu.memory_space<semaphore_mem>>) src(%dma_wait3A_226 : memref<16xf32, #tpu.memory_space<hbm>>) dst(%dma_wait3A_223 : memref<16xf32, #tpu.memory_space<vmem>>)
      %dma_wait3A_227 = arith.constant 5 : i32
      %dma_wait3A_228 = arith.constant 5 : i32
      %dma_wait3A_229 = arith.constant 0 : i32
      %dma_wait3A_230 = tpu.memref_slice %arg4[%dma_wait3A_227, %dma_wait3A_229] : memref<8x16xf32, #tpu.memory_space<vmem>> -> memref<1x16xf32, #tpu.memory_space<vmem>>
      %dma_wait3A_231 = tpu.memref_squeeze %dma_wait3A_230 : memref<1x16xf32, #tpu.memory_space<vmem>> -> memref<16xf32, #tpu.memory_space<vmem>>
      %dma_wait3A_232 = arith.constant 0 : i32
      %dma_wait3A_233 = tpu.memref_slice %arg2[%add3A_95, %dma_wait3A_232] : memref<64x1000000xf32, #tpu.memory_space<hbm>> -> memref<1x16xf32, #tpu.memory_space<hbm>>
      %dma_wait3A_234 = tpu.memref_squeeze %dma_wait3A_233 : memref<1x16xf32, #tpu.memory_space<hbm>> -> memref<16xf32, #tpu.memory_space<hbm>>
      %dma_wait3A_235 = tpu.memref_slice %arg6[%dma_wait3A_228] : memref<8x!tpu.dma_semaphore, #tpu.memory_space<semaphore_mem>> -> memref<1x!tpu.dma_semaphore, #tpu.memory_space<semaphore_mem>>
      %dma_wait3A_236 = tpu.memref_squeeze %dma_wait3A_235 : memref<1x!tpu.dma_semaphore, #tpu.memory_space<semaphore_mem>> -> memref<!tpu.dma_semaphore, #tpu.memory_space<semaphore_mem>>
      %dma_wait3A_237 = arith.constant 0 : i32
      %dma_wait3A_238 = tpu.memref_slice %arg4[%dma_wait3A_227, %dma_wait3A_237] : memref<8x16xf32, #tpu.memory_space<vmem>> -> memref<1x16xf32, #tpu.memory_space<vmem>>
      %dma_wait3A_239 = tpu.memref_squeeze %dma_wait3A_238 : memref<1x16xf32, #tpu.memory_space<vmem>> -> memref<16xf32, #tpu.memory_space<vmem>>
      %dma_wait3A_240 = arith.constant 0 : i32
      %dma_wait3A_241 = tpu.memref_slice %arg2[%add3A_95, %dma_wait3A_240] : memref<64x1000000xf32, #tpu.memory_space<hbm>> -> memref<1x16xf32, #tpu.memory_space<hbm>>
      %dma_wait3A_242 = tpu.memref_squeeze %dma_wait3A_241 : memref<1x16xf32, #tpu.memory_space<hbm>> -> memref<16xf32, #tpu.memory_space<hbm>>
      tpu.wait_dma2 semaphore(%dma_wait3A_236 : memref<!tpu.dma_semaphore, #tpu.memory_space<semaphore_mem>>) src(%dma_wait3A_242 : memref<16xf32, #tpu.memory_space<hbm>>) dst(%dma_wait3A_239 : memref<16xf32, #tpu.memory_space<vmem>>)
      %dma_wait3A_243 = arith.constant 6 : i32
      %dma_wait3A_244 = arith.constant 6 : i32
      %dma_wait3A_245 = arith.constant 0 : i32
      %dma_wait3A_246 = tpu.memref_slice %arg4[%dma_wait3A_243, %dma_wait3A_245] : memref<8x16xf32, #tpu.memory_space<vmem>> -> memref<1x16xf32, #tpu.memory_space<vmem>>
      %dma_wait3A_247 = tpu.memref_squeeze %dma_wait3A_246 : memref<1x16xf32, #tpu.memory_space<vmem>> -> memref<16xf32, #tpu.memory_space<vmem>>
      %dma_wait3A_248 = arith.constant 0 : i32
      %dma_wait3A_249 = tpu.memref_slice %arg2[%add3A_113, %dma_wait3A_248] : memref<64x1000000xf32, #tpu.memory_space<hbm>> -> memref<1x16xf32, #tpu.memory_space<hbm>>
      %dma_wait3A_250 = tpu.memref_squeeze %dma_wait3A_249 : memref<1x16xf32, #tpu.memory_space<hbm>> -> memref<16xf32, #tpu.memory_space<hbm>>
      %dma_wait3A_251 = tpu.memref_slice %arg6[%dma_wait3A_244] : memref<8x!tpu.dma_semaphore, #tpu.memory_space<semaphore_mem>> -> memref<1x!tpu.dma_semaphore, #tpu.memory_space<semaphore_mem>>
      %dma_wait3A_252 = tpu.memref_squeeze %dma_wait3A_251 : memref<1x!tpu.dma_semaphore, #tpu.memory_space<semaphore_mem>> -> memref<!tpu.dma_semaphore, #tpu.memory_space<semaphore_mem>>
      %dma_wait3A_253 = arith.constant 0 : i32
      %dma_wait3A_254 = tpu.memref_slice %arg4[%dma_wait3A_243, %dma_wait3A_253] : memref<8x16xf32, #tpu.memory_space<vmem>> -> memref<1x16xf32, #tpu.memory_space<vmem>>
      %dma_wait3A_255 = tpu.memref_squeeze %dma_wait3A_254 : memref<1x16xf32, #tpu.memory_space<vmem>> -> memref<16xf32, #tpu.memory_space<vmem>>
      %dma_wait3A_256 = arith.constant 0 : i32
      %dma_wait3A_257 = tpu.memref_slice %arg2[%add3A_113, %dma_wait3A_256] : memref<64x1000000xf32, #tpu.memory_space<hbm>> -> memref<1x16xf32, #tpu.memory_space<hbm>>
      %dma_wait3A_258 = tpu.memref_squeeze %dma_wait3A_257 : memref<1x16xf32, #tpu.memory_space<hbm>> -> memref<16xf32, #tpu.memory_space<hbm>>
      tpu.wait_dma2 semaphore(%dma_wait3A_252 : memref<!tpu.dma_semaphore, #tpu.memory_space<semaphore_mem>>) src(%dma_wait3A_258 : memref<16xf32, #tpu.memory_space<hbm>>) dst(%dma_wait3A_255 : memref<16xf32, #tpu.memory_space<vmem>>)
      %dma_wait3A_259 = arith.constant 7 : i32
      %dma_wait3A_260 = arith.constant 7 : i32
      %dma_wait3A_261 = arith.constant 0 : i32
      %dma_wait3A_262 = tpu.memref_slice %arg4[%dma_wait3A_259, %dma_wait3A_261] : memref<8x16xf32, #tpu.memory_space<vmem>> -> memref<1x16xf32, #tpu.memory_space<vmem>>
      %dma_wait3A_263 = tpu.memref_squeeze %dma_wait3A_262 : memref<1x16xf32, #tpu.memory_space<vmem>> -> memref<16xf32, #tpu.memory_space<vmem>>
      %dma_wait3A_264 = arith.constant 0 : i32
      %dma_wait3A_265 = tpu.memref_slice %arg2[%add3A_131, %dma_wait3A_264] : memref<64x1000000xf32, #tpu.memory_space<hbm>> -> memref<1x16xf32, #tpu.memory_space<hbm>>
      %dma_wait3A_266 = tpu.memref_squeeze %dma_wait3A_265 : memref<1x16xf32, #tpu.memory_space<hbm>> -> memref<16xf32, #tpu.memory_space<hbm>>
      %dma_wait3A_267 = tpu.memref_slice %arg6[%dma_wait3A_260] : memref<8x!tpu.dma_semaphore, #tpu.memory_space<semaphore_mem>> -> memref<1x!tpu.dma_semaphore, #tpu.memory_space<semaphore_mem>>
      %dma_wait3A_268 = tpu.memref_squeeze %dma_wait3A_267 : memref<1x!tpu.dma_semaphore, #tpu.memory_space<semaphore_mem>> -> memref<!tpu.dma_semaphore, #tpu.memory_space<semaphore_mem>>
      %dma_wait3A_269 = arith.constant 0 : i32
      %dma_wait3A_270 = tpu.memref_slice %arg4[%dma_wait3A_259, %dma_wait3A_269] : memref<8x16xf32, #tpu.memory_space<vmem>> -> memref<1x16xf32, #tpu.memory_space<vmem>>
      %dma_wait3A_271 = tpu.memref_squeeze %dma_wait3A_270 : memref<1x16xf32, #tpu.memory_space<vmem>> -> memref<16xf32, #tpu.memory_space<vmem>>
      %dma_wait3A_272 = arith.constant 0 : i32
      %dma_wait3A_273 = tpu.memref_slice %arg2[%add3A_131, %dma_wait3A_272] : memref<64x1000000xf32, #tpu.memory_space<hbm>> -> memref<1x16xf32, #tpu.memory_space<hbm>>
      %dma_wait3A_274 = tpu.memref_squeeze %dma_wait3A_273 : memref<1x16xf32, #tpu.memory_space<hbm>> -> memref<16xf32, #tpu.memory_space<hbm>>
      tpu.wait_dma2 semaphore(%dma_wait3A_268 : memref<!tpu.dma_semaphore, #tpu.memory_space<semaphore_mem>>) src(%dma_wait3A_274 : memref<16xf32, #tpu.memory_space<hbm>>) dst(%dma_wait3A_271 : memref<16xf32, #tpu.memory_space<vmem>>)
      %iota3A = tpu.iota {dimensions = array<i32: 0>} : vector<16xi32>
      %eq3A = arith.constant 1 : i32
      %eq3A_275 = vector.broadcast %eq3A : i32 to vector<16xi32>
      %eq3A_276 = arith.cmpi eq, %iota3A, %eq3A_275 : vector<16xi32>
      %add3A_277 = arith.constant 1 : i32
      %add3A_278 = vector.broadcast %add3A_277 : i32 to vector<16xi32>
      %add3A_279 = arith.addi %iota3A, %add3A_278 : vector<16xi32>
      %eq3A_280 = arith.constant 2 : i32
      %eq3A_281 = vector.broadcast %eq3A_280 : i32 to vector<16xi32>
      %eq3A_282 = arith.cmpi eq, %iota3A, %eq3A_281 : vector<16xi32>
      %sub3A = arith.constant 1 : i32
      %sub3A_283 = vector.broadcast %sub3A : i32 to vector<16xi32>
      %sub3A_284 = arith.subi %iota3A, %sub3A_283 : vector<16xi32>
      %select_n3A = arith.select %eq3A_282, %sub3A_284, %iota3A : vector<16xi1>, vector<16xi32>
      %select_n3A_285 = arith.select %eq3A_276, %add3A_279, %select_n3A : vector<16xi1>, vector<16xi32>
      %reshape3A = vector.shape_cast %select_n3A_285 : vector<16xi32> to vector<16x1xi32>
      %get3A = arith.constant 0 : i32
      %get3A_286 = arith.index_cast %get3A : i32 to index
      %get3A_287 = arith.constant 0 : index
      %get3A_288 = tpu.vector_load %arg4[%get3A_286, %get3A_287] {strides = array<i32>} : memref<8x16xf32, #tpu.memory_space<vmem>>, vector<1x16xf32>,
      %get3A_289 = vector.shape_cast %get3A_288 : vector<1x16xf32> to vector<16xf32>
      %gather3A = vector.shape_cast %reshape3A : vector<16x1xi32> to vector<16xi32>
      %gather3A_290 = tpu.dynamic_gather %get3A_289[%gather3A] in [0] : vector<16xf32>, vector<16xi32> -> vector<16xf32>
      %swap3A = arith.constant 0 : i32
      %swap3A_291 = arith.index_cast %swap3A : i32 to index
      %swap3A_292 = arith.constant 0 : index
      %swap3A_293 = tpu.vector_load %arg5[%swap3A_291, %swap3A_292] {strides = array<i32>} : memref<8x16xf32, #tpu.memory_space<vmem>>, vector<1x16xf32>,
      %swap3A_294 = vector.shape_cast %swap3A_293 : vector<1x16xf32> to vector<16xf32>
      %swap3A_295 = vector.shape_cast %gather3A_290 : vector<16xf32> to vector<1x16xf32>
      tpu.vector_store %arg5[%swap3A_291, %swap3A_292], %swap3A_295 {strides = array<i32>} : memref<8x16xf32, #tpu.memory_space<vmem>>, vector<1x16xf32>,
      %get3A_296 = arith.constant 1 : i32
      %get3A_297 = arith.index_cast %get3A_296 : i32 to index
      %get3A_298 = arith.constant 0 : index
      %get3A_299 = tpu.vector_load %arg4[%get3A_297, %get3A_298] {strides = array<i32>} : memref<8x16xf32, #tpu.memory_space<vmem>>, vector<1x16xf32>,
      %get3A_300 = vector.shape_cast %get3A_299 : vector<1x16xf32> to vector<16xf32>
      %gather3A_301 = vector.shape_cast %reshape3A : vector<16x1xi32> to vector<16xi32>
      %gather3A_302 = tpu.dynamic_gather %get3A_300[%gather3A_301] in [0] : vector<16xf32>, vector<16xi32> -> vector<16xf32>
      %swap3A_303 = arith.constant 1 : i32
      %swap3A_304 = arith.index_cast %swap3A_303 : i32 to index
      %swap3A_305 = arith.constant 0 : index
      %swap3A_306 = tpu.vector_load %arg5[%swap3A_304, %swap3A_305] {strides = array<i32>} : memref<8x16xf32, #tpu.memory_space<vmem>>, vector<1x16xf32>,
      %swap3A_307 = vector.shape_cast %swap3A_306 : vector<1x16xf32> to vector<16xf32>
      %swap3A_308 = vector.shape_cast %gather3A_302 : vector<16xf32> to vector<1x16xf32>
      tpu.vector_store %arg5[%swap3A_304, %swap3A_305], %swap3A_308 {strides = array<i32>} : memref<8x16xf32, #tpu.memory_space<vmem>>, vector<1x16xf32>,
      %get3A_309 = arith.constant 2 : i32
      %get3A_310 = arith.index_cast %get3A_309 : i32 to index
      %get3A_311 = arith.constant 0 : index
      %get3A_312 = tpu.vector_load %arg4[%get3A_310, %get3A_311] {strides = array<i32>} : memref<8x16xf32, #tpu.memory_space<vmem>>, vector<1x16xf32>,
      %get3A_313 = vector.shape_cast %get3A_312 : vector<1x16xf32> to vector<16xf32>
      %gather3A_314 = vector.shape_cast %reshape3A : vector<16x1xi32> to vector<16xi32>
      %gather3A_315 = tpu.dynamic_gather %get3A_313[%gather3A_314] in [0] : vector<16xf32>, vector<16xi32> -> vector<16xf32>
      %swap3A_316 = arith.constant 2 : i32
      %swap3A_317 = arith.index_cast %swap3A_316 : i32 to index
      %swap3A_318 = arith.constant 0 : index
      %swap3A_319 = tpu.vector_load %arg5[%swap3A_317, %swap3A_318] {strides = array<i32>} : memref<8x16xf32, #tpu.memory_space<vmem>>, vector<1x16xf32>,
      %swap3A_320 = vector.shape_cast %swap3A_319 : vector<1x16xf32> to vector<16xf32>
      %swap3A_321 = vector.shape_cast %gather3A_315 : vector<16xf32> to vector<1x16xf32>
      tpu.vector_store %arg5[%swap3A_317, %swap3A_318], %swap3A_321 {strides = array<i32>} : memref<8x16xf32, #tpu.memory_space<vmem>>, vector<1x16xf32>,
      %get3A_322 = arith.constant 3 : i32
      %get3A_323 = arith.index_cast %get3A_322 : i32 to index
      %get3A_324 = arith.constant 0 : index
      %get3A_325 = tpu.vector_load %arg4[%get3A_323, %get3A_324] {strides = array<i32>} : memref<8x16xf32, #tpu.memory_space<vmem>>, vector<1x16xf32>,
      %get3A_326 = vector.shape_cast %get3A_325 : vector<1x16xf32> to vector<16xf32>
      %gather3A_327 = vector.shape_cast %reshape3A : vector<16x1xi32> to vector<16xi32>
      %gather3A_328 = tpu.dynamic_gather %get3A_326[%gather3A_327] in [0] : vector<16xf32>, vector<16xi32> -> vector<16xf32>
      %swap3A_329 = arith.constant 3 : i32
      %swap3A_330 = arith.index_cast %swap3A_329 : i32 to index
      %swap3A_331 = arith.constant 0 : index
      %swap3A_332 = tpu.vector_load %arg5[%swap3A_330, %swap3A_331] {strides = array<i32>} : memref<8x16xf32, #tpu.memory_space<vmem>>, vector<1x16xf32>,
      %swap3A_333 = vector.shape_cast %swap3A_332 : vector<1x16xf32> to vector<16xf32>
      %swap3A_334 = vector.shape_cast %gather3A_328 : vector<16xf32> to vector<1x16xf32>
      tpu.vector_store %arg5[%swap3A_330, %swap3A_331], %swap3A_334 {strides = array<i32>} : memref<8x16xf32, #tpu.memory_space<vmem>>, vector<1x16xf32>,
      %get3A_335 = arith.constant 4 : i32
      %get3A_336 = arith.index_cast %get3A_335 : i32 to index
      %get3A_337 = arith.constant 0 : index
      %get3A_338 = tpu.vector_load %arg4[%get3A_336, %get3A_337] {strides = array<i32>} : memref<8x16xf32, #tpu.memory_space<vmem>>, vector<1x16xf32>,
      %get3A_339 = vector.shape_cast %get3A_338 : vector<1x16xf32> to vector<16xf32>
      %gather3A_340 = vector.shape_cast %reshape3A : vector<16x1xi32> to vector<16xi32>
      %gather3A_341 = tpu.dynamic_gather %get3A_339[%gather3A_340] in [0] : vector<16xf32>, vector<16xi32> -> vector<16xf32>
      %swap3A_342 = arith.constant 4 : i32
      %swap3A_343 = arith.index_cast %swap3A_342 : i32 to index
      %swap3A_344 = arith.constant 0 : index
      %swap3A_345 = tpu.vector_load %arg5[%swap3A_343, %swap3A_344] {strides = array<i32>} : memref<8x16xf32, #tpu.memory_space<vmem>>, vector<1x16xf32>,
      %swap3A_346 = vector.shape_cast %swap3A_345 : vector<1x16xf32> to vector<16xf32>
      %swap3A_347 = vector.shape_cast %gather3A_341 : vector<16xf32> to vector<1x16xf32>
      tpu.vector_store %arg5[%swap3A_343, %swap3A_344], %swap3A_347 {strides = array<i32>} : memref<8x16xf32, #tpu.memory_space<vmem>>, vector<1x16xf32>,
      %get3A_348 = arith.constant 5 : i32
      %get3A_349 = arith.index_cast %get3A_348 : i32 to index
      %get3A_350 = arith.constant 0 : index
      %get3A_351 = tpu.vector_load %arg4[%get3A_349, %get3A_350] {strides = array<i32>} : memref<8x16xf32, #tpu.memory_space<vmem>>, vector<1x16xf32>,
      %get3A_352 = vector.shape_cast %get3A_351 : vector<1x16xf32> to vector<16xf32>
      %gather3A_353 = vector.shape_cast %reshape3A : vector<16x1xi32> to vector<16xi32>
      %gather3A_354 = tpu.dynamic_gather %get3A_352[%gather3A_353] in [0] : vector<16xf32>, vector<16xi32> -> vector<16xf32>
      %swap3A_355 = arith.constant 5 : i32
      %swap3A_356 = arith.index_cast %swap3A_355 : i32 to index
      %swap3A_357 = arith.constant 0 : index
      %swap3A_358 = tpu.vector_load %arg5[%swap3A_356, %swap3A_357] {strides = array<i32>} : memref<8x16xf32, #tpu.memory_space<vmem>>, vector<1x16xf32>,
      %swap3A_359 = vector.shape_cast %swap3A_358 : vector<1x16xf32> to vector<16xf32>
      %swap3A_360 = vector.shape_cast %gather3A_354 : vector<16xf32> to vector<1x16xf32>
      tpu.vector_store %arg5[%swap3A_356, %swap3A_357], %swap3A_360 {strides = array<i32>} : memref<8x16xf32, #tpu.memory_space<vmem>>, vector<1x16xf32>,
      %get3A_361 = arith.constant 6 : i32
      %get3A_362 = arith.index_cast %get3A_361 : i32 to index
      %get3A_363 = arith.constant 0 : index
      %get3A_364 = tpu.vector_load %arg4[%get3A_362, %get3A_363] {strides = array<i32>} : memref<8x16xf32, #tpu.memory_space<vmem>>, vector<1x16xf32>,
      %get3A_365 = vector.shape_cast %get3A_364 : vector<1x16xf32> to vector<16xf32>
      %gather3A_366 = vector.shape_cast %reshape3A : vector<16x1xi32> to vector<16xi32>
      %gather3A_367 = tpu.dynamic_gather %get3A_365[%gather3A_366] in [0] : vector<16xf32>, vector<16xi32> -> vector<16xf32>
      %swap3A_368 = arith.constant 6 : i32
      %swap3A_369 = arith.index_cast %swap3A_368 : i32 to index
      %swap3A_370 = arith.constant 0 : index
      %swap3A_371 = tpu.vector_load %arg5[%swap3A_369, %swap3A_370] {strides = array<i32>} : memref<8x16xf32, #tpu.memory_space<vmem>>, vector<1x16xf32>,
      %swap3A_372 = vector.shape_cast %swap3A_371 : vector<1x16xf32> to vector<16xf32>
      %swap3A_373 = vector.shape_cast %gather3A_367 : vector<16xf32> to vector<1x16xf32>
      tpu.vector_store %arg5[%swap3A_369, %swap3A_370], %swap3A_373 {strides = array<i32>} : memref<8x16xf32, #tpu.memory_space<vmem>>, vector<1x16xf32>,
      %get3A_374 = arith.constant 7 : i32
      %get3A_375 = arith.index_cast %get3A_374 : i32 to index
      %get3A_376 = arith.constant 0 : index
      %get3A_377 = tpu.vector_load %arg4[%get3A_375, %get3A_376] {strides = array<i32>} : memref<8x16xf32, #tpu.memory_space<vmem>>, vector<1x16xf32>,
      %get3A_378 = vector.shape_cast %get3A_377 : vector<1x16xf32> to vector<16xf32>
      %gather3A_379 = vector.shape_cast %reshape3A : vector<16x1xi32> to vector<16xi32>
      %gather3A_380 = tpu.dynamic_gather %get3A_378[%gather3A_379] in [0] : vector<16xf32>, vector<16xi32> -> vector<16xf32>
      %swap3A_381 = arith.constant 7 : i32
      %swap3A_382 = arith.index_cast %swap3A_381 : i32 to index
      %swap3A_383 = arith.constant 0 : index
      %swap3A_384 = tpu.vector_load %arg5[%swap3A_382, %swap3A_383] {strides = array<i32>} : memref<8x16xf32, #tpu.memory_space<vmem>>, vector<1x16xf32>,
      %swap3A_385 = vector.shape_cast %swap3A_384 : vector<1x16xf32> to vector<16xf32>
      %swap3A_386 = vector.shape_cast %gather3A_380 : vector<16xf32> to vector<1x16xf32>
      tpu.vector_store %arg5[%swap3A_382, %swap3A_383], %swap3A_386 {strides = array<i32>} : memref<8x16xf32, #tpu.memory_space<vmem>>, vector<1x16xf32>,
      "tpu.region"() ({
        %run_scoped3A = tpu.sem_alloc : memref<!tpu.dma_semaphore, #tpu.memory_space<semaphore_mem>>
        %dma_start3A_387 = arith.constant 0 : i32
        %dma_start3A_388 = tpu.memref_slice %arg3[%mul3A_4, %dma_start3A_387] : memref<64x16xf32, #tpu.memory_space<hbm>> -> memref<8x16xf32, #tpu.memory_space<hbm>>
        %dma_start3A_389 = arith.constant 0 : i32
        %dma_start3A_390 = tpu.memref_slice %arg3[%mul3A_4, %dma_start3A_389] : memref<64x16xf32, #tpu.memory_space<hbm>> -> memref<8x16xf32, #tpu.memory_space<hbm>>
        tpu.enqueue_dma source(%arg5 : memref<8x16xf32, #tpu.memory_space<vmem>>) target(%dma_start3A_390 : memref<8x16xf32, #tpu.memory_space<hbm>>) target_semaphore(%run_scoped3A : memref<!tpu.dma_semaphore, #tpu.memory_space<semaphore_mem>>)
        %dma_wait3A_391 = arith.constant 0 : i32
        %dma_wait3A_392 = tpu.memref_slice %arg3[%mul3A_4, %dma_wait3A_391] : memref<64x16xf32, #tpu.memory_space<hbm>> -> memref<8x16xf32, #tpu.memory_space<hbm>>
        %dma_wait3A_393 = arith.constant 0 : i32
        %dma_wait3A_394 = tpu.memref_slice %arg3[%mul3A_4, %dma_wait3A_393] : memref<64x16xf32, #tpu.memory_space<hbm>> -> memref<8x16xf32, #tpu.memory_space<hbm>>
        tpu.wait_dma2 semaphore(%run_scoped3A : memref<!tpu.dma_semaphore, #tpu.memory_space<semaphore_mem>>) src(%arg5 : memref<8x16xf32, #tpu.memory_space<vmem>>) dst(%dma_wait3A_394 : memref<8x16xf32, #tpu.memory_space<hbm>>)
        tpu.yield
      }) : () -> ()
    } else {
    }
    return
  }
}

</mosaic_0001>

<sc_bundles>
// kernel: kernel.3.cloned.1.call-start
scs
__scs_entry_jumppad:
0x0: {  	(pc) =	sbr.rel $0x88, $3  }
0x1: {  	(tag) =	ssettag $0x0;
	lr =	simm.s32 $0x1  }
0x2: {  	[smem:$0x3FA0] =	sst lr;
	_ =	strace $0xD0000000  }
0x3: {  	_ = 	snop  }
0x4: {  	_ = 	snop  }
0x5: {  	_ = 	snop  }
0x6: {  	_ = 	snop  }
0x7: {  	_ = 	snop  }
__scs_overlays_trampoline_lowered:
0x8: {  	[smem:$0x3FAF] =	sst s0  }
0x9: {  	[smem:$0x3FB0] =	sst s1  }
0xa: {  	[smem:$0x3FB1] =	sst s2  }
0xb: {  	[smem:$0x3FB2] =	sst s3  }
0xc: {  	[smem:$0x3FB3] =	sst s4  }
0xd: {  	[smem:$0x3FB4] =	sst s5  }
0xe: {  	[smem:$0x3FB5] =	sst s6  }
0xf: {  	[smem:$0x3FB6] =	sst s7  }
0x10: {  	[smem:$0x3FB7] =	sst s8  }
0x11: {  	[smem:$0x3FB8] =	sst s9;
	s0 =	simm.s32 @!p0 $0x0  }
0x12: {  	s1 =	sld [smem:$0x3F9E];
	s0 =	simm.s32 @p0 $0x1  }
0x13: {  	[smem:$0x3FB9] =	sst s0;
	s0 =	simm.s32 @!p1 $0x0  }
0x14: {  	s2 =	sld [smem:$0x3F9D];
	s0 =	simm.s32 @p1 $0x1  }
0x15: {  	[smem:$0x3FBA] =	sst s0;
	s0 =	simm.s32 @!p2 $0x0  }
0x16: {  	s3 =	sld [smem:$0x3FDB];
	s0 =	simm.s32 @p2 $0x1  }
0x17: {  	s4 =	simm.s32 $0x1BF5;
	[smem:$0x3FBC] =	sst s0  }
0x18: {  	s0 =	sld [smem:$0x3F9F];
	_ =	swait.ge [sflag:s4], $0x0  }
0x19: {  	s7 =	sld [smem:$0x3FA0]  }
0x1a: {  	s8 =	sadd.s32 $0xFFFFE003, lr  }
0x1b: {  	s9 =	sadd.s32 $0xFFFFFEF7, lr;
	s5 =	simm.s32 $0xFFFFFFFF;
	p2 =	slt.u32 s8, $0xFFFFF086  }
0x1c: {  	p1 =	slt.u32 s9, $0xF7A;
	s5 =	simm.s32 @!p2 $0x0  }
0x1d: {  	s5 =	simm.s32 @p1 $0x1;
	p0 =	seq.s32 s7, s2  }
0x1e: {  	s7 =	smul.u32 @!p0 $0xF7A, s2;
	p2 =	seq.s32 @!p0 s5, $0x0  }
0x1f: {  	s9 =	smul.u32 $0xF7A, s1;
	s8 =	simm.s32 @!p0 $0x1BF5;
	p2 =	por !p2, p0  }
0x20: {  	[sflag:s8] =	ssyncset.s32 @!p0 $0xFFFFF086;
	s6 =	sadd.s32 @!p0 s3, s7;
	s7 =	simm.s32 @!p0 $0x108  }
0x21: {  	s3 =	sadd.s32 s3, s9;
	s6 =	sadd.s32 @!p0 $0x88, s6;
	s7 =	simm.s32 @p2 $0x1082  }
0x22: {  	[simem:s7], [sflag:s8] =	dma.local @!p0 [hbm:s6], $0xF7A  }
0x23: {  	s9 =	sor.u32 $0xD0000000, s2;
	s6 =	simm.s32 $0x108;
	_ =	swait.ge @!p0 [sflag:s8], $0x0  }
0x24: {  	s3 =	sadd.s32 $0x88, s3;
	s6 =	simm.s32 @!p1 $0x1082;
	[sflag:s4] =	ssyncset.s32 $0xFFFFF086  }
0x25: {  	[simem:s6], [sflag:s4] =	dma.local [hbm:s3], $0xF7A  }
0x26: {  	[smem:$0x3FA0] =	sst s1;
	(tag) =	ssettag s2;
	_ =	strace s9  }
0x27: {  	s1 =	sld [smem:$0x3FB0]  }
0x28: {  	s2 =	sld [smem:$0x3FB1]  }
0x29: {  	s4 =	sld [smem:$0x3FB3]  }
0x2a: {  	p0 =	seq.s32 s5, $0x0;
	s5 =	sld [smem:$0x3FB4]  }
0x2b: {  	s6 =	sld [smem:$0x3FB5]  }
0x2c: {  	s7 =	sld [smem:$0x3FB6]  }
0x2d: {  	s3 =	simm.s32 $0x108;
	s8 =	sld [smem:$0x3FB7]  }
0x2e: {  	s3 =	simm.s32 @!p0 $0x1082;
	s9 =	sld [smem:$0x3FB8]  }
0x2f: {  	lr =	sadd.s32 s0, s3;
	s0 =	sld [smem:$0x3FAF]  }
0x30: {  	s3 =	sld [smem:$0x3FB2]  }
0x31: {  	[smem:$0x3FBB] =	sst s10  }
0x32: {  	s10 =	sld [smem:$0x3FB9];
	_ =	sdelay $0x3  }
0x33: {  	p0 =	seq.s32 s10, $0x1;
	s10 =	sld [smem:$0x3FBB];
	_ =	sdelay $0x3  }
0x34: {  	[smem:$0x3FBB] =	sst s10  }
0x35: {  	s10 =	sld [smem:$0x3FBA];
	_ =	sdelay $0x3  }
0x36: {  	p1 =	seq.s32 s10, $0x1;
	s10 =	sld [smem:$0x3FBB];
	_ =	sdelay $0x3  }
0x37: {  	[smem:$0x3FBB] =	sst s10  }
0x38: {  	s10 =	sld [smem:$0x3FBC]  }
0x39: {  	_ = 	snop;
	(pc) =	sbr.ind lr, $3  }
0x3a: {  	_ = 	snop  }
0x3b: {  	_ = 	snop  }
0x3c: {  	p2 =	seq.s32 s10, $0x1;
	s10 =	sld [smem:$0x3FBB]  }
0x3d: {  	_ =	shalt  }
0x3e: {  	_ =	shalt  }
0x3f: {  	_ =	shalt  }
0x40: {  	_ =	shalt  }
0x41: {  	_ =	shalt  }
0x42: {  	_ =	shalt  }
0x43: {  	_ =	shalt  }
0x44: {  	_ =	shalt  }
0x45: {  	_ =	shalt  }
0x46: {  	_ =	shalt  }
0x47: {  	_ =	shalt  }
0x48: {  	_ =	shalt  }
0x49: {  	_ =	shalt  }
0x4a: {  	_ =	shalt  }
0x4b: {  	_ =	shalt  }
0x4c: {  	_ =	shalt  }
0x4d: {  	_ =	shalt  }
0x4e: {  	_ =	shalt  }
0x4f: {  	_ =	shalt  }
0x50: {  	_ =	shalt  }
0x51: {  	_ =	shalt  }
0x52: {  	_ =	shalt  }
0x53: {  	_ =	shalt  }
0x54: {  	_ =	shalt  }
0x55: {  	_ =	shalt  }
0x56: {  	_ =	shalt  }
0x57: {  	_ =	shalt  }
0x58: {  	_ =	shalt  }
0x59: {  	_ =	shalt  }
0x5a: {  	_ =	shalt  }
0x5b: {  	_ =	shalt  }
0x5c: {  	_ =	shalt  }
0x5d: {  	_ =	shalt  }
0x5e: {  	_ =	shalt  }
0x5f: {  	_ =	shalt  }
0x60: {  	_ =	shalt  }
0x61: {  	_ =	shalt  }
0x62: {  	_ =	shalt  }
0x63: {  	_ =	shalt  }
0x64: {  	_ =	shalt  }
0x65: {  	_ =	shalt  }
0x66: {  	_ =	shalt  }
0x67: {  	_ =	shalt  }
0x68: {  	_ =	shalt  }
0x69: {  	_ =	shalt  }
0x6a: {  	_ =	shalt  }
0x6b: {  	_ =	shalt  }
0x6c: {  	_ =	shalt  }
0x6d: {  	_ =	shalt  }
0x6e: {  	_ =	shalt  }
0x6f: {  	_ =	shalt  }
0x70: {  	_ =	shalt  }
0x71: {  	_ =	shalt  }
0x72: {  	_ =	shalt  }
0x73: {  	_ =	shalt  }
0x74: {  	_ =	shalt  }
0x75: {  	_ =	shalt  }
0x76: {  	_ =	shalt  }
0x77: {  	_ =	shalt  }
0x78: {  	_ =	shalt  }
0x79: {  	_ =	shalt  }
0x7a: {  	_ =	shalt  }
0x7b: {  	_ =	shalt  }
0x7c: {  	_ =	shalt  }
0x7d: {  	_ =	shalt  }
0x7e: {  	_ =	shalt  }
0x7f: {  	_ =	shalt  }
0x80: {  	_ =	shalt  }
0x81: {  	_ =	shalt  }
0x82: {  	_ =	shalt  }
0x83: {  	_ =	shalt  }
0x84: {  	_ =	shalt  }
0x85: {  	_ =	shalt  }
0x86: {  	_ =	shalt  }
0x87: {  	_ =	shalt  }
.Lfunc_end0:
.L_simem_size_0:
called_computation_lowered:
.L_overlay_start_0:
0x88: {  	s2 =	sld [smem:$0x3FD9]  }
0x89: {  	s3 =	sld [smem:$0x3FFE];
	_ =	sdelay $0x1  }
0x8a: {  	s1 =	srdreg.scid  }
0x8b: {  	s0 =	sand.u32 $0x1, s1  }
0x8c: {  	s17 =	sshll.u32 s0, $0xA;
	s2 =	sadd.s32 s3, s2  }
0x8d: {  	s2 =	sadd.s32 s2, s17  }
0x8e: {  	[smem:$0x3FC7] =	sst s2  }
0x8f: {  	_ = 	snop  }
0x90: {  	s2 =	sld [smem:$0x3FC9];
	(tm) =	ssettm $0x1  }
0x91: {  	s18 =	sld [smem:$0x3FFB];
	_ =	sdelay $0x3  }
0x92: {  	_ =	strace s18  }
0x93: {  	s3 =	sld [smem:$0x3FFC];
	_ =	sdelay $0x3  }
0x94: {  	_ =	strace s3  }
0x95: {  	s3 =	sld [smem:$0x3FFD];
	_ =	sdelay $0x3  }
0x96: {  	_ =	strace s3  }
0x97: {  	_ =	strace $0x8FFFFFFF  }
0x98: {  	s19 =	sld [smem:$0x3FDB];
	_ =	sdelay $0x1  }
0x99: {  	s4 =	simm.s32 $_scs_section_size  }
0x9a: {  	s5 =	simm.s32 $_size__tile_overlayer_lowered;
	s6 =	simm.s32 $_tile_overlayer_lowered  }
0x9b: {  	s22 =	simm.s32 $0x1BFF;
	s21 =	sshll.u32 s6, $0x1;
	s3 =	sadd.s32 s4, s19  }
0x9c: {  	s7 =	simm.s32 $0x0;
	s20 =	sshll.u32 s5, $0x1;
	s5 =	sadd.s32 s21, s3  }
0x9d: {  	[timem:s7], [sflag:s22] =	dma.local [hbm:s5], s20  }
0x9e: {  	_ =	swait.ge [sflag:s22], s20  }
0x9f: {  	s4 =	ssub.s32 $0x0, s20;
	[sflag:s22] =	ssyncset.done $0x0  }
0xa0: {  	[sflag:s22] =	ssyncadd.s32 s4;
	_ =	sdelay $0x1  }
0xa1: {  	s23 =	simm.s32 $0x1B8B  }
0xa2: {  	_ =	swait.ge [sflag:s23], $0x1  }
0xa3: {  	[sflag:s23] =	ssyncset.done $0x0  }
0xa4: {  	s25 =	simm.s32 $0x1B8E;
	s24 =	sld [smem:$0x3FFE];
	[sflag:s23] =	ssyncadd.s32 $0xFFFFFFFF  }
0xa5: {  	s26 =	simm.s32 $execute0_lowered;
	[smem:$0x3FD2] =	sst s25  }
0xa6: {  	s5 =	sshll.u32 s26, $0x1;
	_ =	strace $0x80000046;
	[dreg:$0x1] =	wrdreg $0xFFFFFFFF  }
0xa7: {  	s28 =	simm.s32 $_size_execute0_lowered;
	s3 =	sadd.s32 s3, s5;
	[dreg:$0x0] =	wrdreg $0x0  }
0xa8: {  	s5 =	sshll.u32 s28, $0x1;
	[dreg:$0x2] =	wrdreg s3  }
0xa9: {  	[dreg:$0x3] =	wrdreg s5  }
0xaa: {  	[dreg:$0x4] =	wrdreg $0xC0  }
0xab: {  	_ =	task [dreg:s7], $0x5FFFF  }
0xac: {  	[dreg:$0x1] =	wrdreg $0xFFFFFFFF  }
0xad: {  	[dreg:$0x0] =	wrdreg $0x60  }
0xae: {  	[dreg:$0x2] =	wrdreg s2  }
0xaf: {  	[dreg:$0x3] =	wrdreg s24  }
0xb0: {  	[dreg:$0x4] =	wrdreg $0x9  }
0xb1: {  	_ =	task.clear_ibuf [dreg:s7], $0x5FFFF;
	_ =	strace $0x90000046  }
0xb2: {  	s29 =	simm.s32 $0x9;
	_ =	strace $0x80000048  }
0xb3: {  	_ =	swait.ge [sflag:s29], $0x1  }
0xb4: {  	[sflag:s29] =	ssyncadd.s32 $0xFFFFFFFF  }
0xb5: {  	_ =	strace $0x90000048  }
0xb6: {  	_ =	sfence  }
0xb7: {  	s30 =	sld [smem:$0x0];
	_ =	sdelay $0x2  }
0xb8: {  	s31 =	sshll.u32 s1, $0xD;
	s1 =	sshrl.u32 s1, $0x2  }
0xb9: {  	s3 =	sand.u32 $0x4000, s31;
	s1 =	sadd.s32 s1, s30  }
0xba: {  	s0 =	sor.u32 s3, s0;
	s1 =	sshll.u32 s1, $0x11  }
0xbb: {  	s0 =	sor.u32 s1, s0  }
0xbc: {  	s0 =	sadd.s32 $0x8F2B, s0  }
0xbd: {  	[sflag:s0] =	ssyncadd.remote.s32 $0x1  }
0xbe: {  	_ =	sfence.sel $0xFFFF  }
0xbf: {  	[dreg:$0x0] =	wrdreg $0xFFFFFFFF;
	(pc) =	sbr.abs _section_cstart, $3  }
0xc0: {  	[dreg:$0x1] =	wrdreg $0xFFFFFFFF  }
0xc1: {  	_ =	task.clear_ibuf [dreg:s7], $0x2FFFF;
	_ =	strace $0x9FFFFFFF  }
0xc2: {  	(tm) =	ssettm $0x7FFFFFFF  }
0xc3: {  	_ =	shalt  }
tec
execute0_lowered:
.L_overlay_start_1:
0x0: {  	(tag) =	ssettag $0x1  }
0x1: {  	s0 =	srdreg.scid  }
0x2: {  	s4 =	sand.u32 $0x1, s0  }
0x3: {  	s1 =	stileid.u32;
	s6 =	sshll.u32 s4, $0x4  }
0x4: {  	s6 =	sor.u32 s1, s6  }
0x5: {  	p0 =	sgt.u32 s6, $0x7  }
.Ltmp0:
0x6: {  	_ = 	snop;
	(pc) =	sbr.rel @p0 .LBB2_5-.Ltmp0, $4  }
0x7: {  	s3 =	rddreg [dreg:$0x0]  }
0x8: {  	s5 =	rddreg [dreg:$0x1];
	s2 =	simm.s32 $0x0  }
0x9: {  	[smem:$0x7FF] =	sst s2  }
0xa: {  	s0 =	rddreg [dreg:$0x2];
	_ =	strace $0x80000047  }
0xb: {  	s6 =	smul.u32 $0xF4280, s6  }
0xc: {  	s7 =	sshll.u32 s1, $0x7;
	s4 =	ssub.s32 $0x2, s4;
	s20 =	simm.s32 $0x80  }
0xd: {  	s21 =	simm.s32 $0x100;
	s24 =	simm.s32 $0x180;
	s25 =	simm.s32 $0x200  }
0xe: {  	s28 =	simm.s32 $0x300;
	s29 =	simm.s32 $0x380;
	s22 =	simm.s32 $0x1  }
0xf: {  	s23 =	simm.s32 $0x2;
	s19 =	simm.s32 $0x3;
	s26 =	sshrl.u32 s4, $0x1  }
0x10: {  	v0 =	vimm.s32 $0xFEDCBA98;
	v1 =	vimm.s32 $0x76543120;
	s18 =	simm.s32 $0x4;
	s16 =	simm.s32 $0x5;
	s4 =	ssub.s32 s4, s26  }
0x11: {  	s14 =	simm.s32 $0x6;
	s12 =	simm.s32 $0x7;
	v0 =	vunpack.c.l.s4.s8 v0;
	v1 =	vunpack.c.l.s4.s8 v1;
	s31 =	smax.u32 s4, $0x1  }
0x12: {  	s10 =	simm.s32 $0x8;
	p0 =	por $0x0, $0x0;
	p1 =	sne.s32 s31, $0x1  }
.Ltmp1:
0x13: {  	s5 =	sadd.s32 s7, s5;
	s8 =	sadd.s32 s3, s6;
	v0 =	vunpack.c.0.s8.s32 v0;
	v1 =	vunpack.c.0.s8.s32 v1;
	(pc) =	sbr.rel @!p1 .LBB2_4-.Ltmp1, $4  }
0x14: {  	s3 =	sadd.s32 $0x400, s5;
	s26 =	simm.s32 $0x280;
	s5 =	simm.s32 $0x9  }
0x15: {  	s6 =	sadd.s32 $0x70, s8;
	s7 =	sadd.s32 $0x60, s8;
	s9 =	sadd.s32 $0x50, s8;
	v0 =	vcombine.low v1, v0  }
0x16: {  	s11 =	sadd.s32 $0x40, s8;
	s13 =	sadd.s32 $0x30, s8;
	s15 =	sadd.s32 $0x20, s8  }
0x17: {  	s17 =	sadd.s32 $0x10, s8;
	s4 =	simm.s32 $0x400;
	s30 =	sadd.s32 $0xFFFFFFFF, s31;
	v0 =	vand.u32 $0xF, v0  }
0x18: {  	[tilespmem:s2], [sflag:$0x1] =	stream.linear.gather [hbm4b:s8+s2], $0x10, $0x38;
	[tilespmem:$0x800] =	vst v63  }
0x19: {  	_ = 	snop  }
0x1a: {  	[tilespmem:s20], [sflag:$0x2] =	stream.linear.gather [hbm4b:s17+s2], $0x10, $0x38;
	[tilespmem:$0x800] =	vst v63  }
0x1b: {  	_ = 	snop  }
0x1c: {  	[tilespmem:s21], [sflag:$0x3] =	stream.linear.gather [hbm4b:s15+s2], $0x10, $0x38;
	[tilespmem:$0x800] =	vst v63  }
0x1d: {  	_ = 	snop  }
0x1e: {  	[tilespmem:s24], [sflag:$0x4] =	stream.linear.gather [hbm4b:s13+s2], $0x10, $0x38;
	[tilespmem:$0x800] =	vst v63  }
0x1f: {  	_ = 	snop  }
0x20: {  	[tilespmem:s25], [sflag:$0x5] =	stream.linear.gather [hbm4b:s11+s2], $0x10, $0x38;
	[tilespmem:$0x800] =	vst v63  }
0x21: {  	_ = 	snop  }
0x22: {  	[tilespmem:s26], [sflag:$0x6] =	stream.linear.gather [hbm4b:s9+s2], $0x10, $0x38;
	[tilespmem:$0x800] =	vst v63  }
0x23: {  	_ = 	snop  }
0x24: {  	[tilespmem:s28], [sflag:$0x7] =	stream.linear.gather [hbm4b:s7+s2], $0x10, $0x38;
	[tilespmem:$0x800] =	vst v63  }
0x25: {  	_ = 	snop  }
0x26: {  	[tilespmem:s29], [sflag:$0x8] =	stream.linear.gather [hbm4b:s6+s2], $0x10, $0x38;
	[tilespmem:$0x800] =	vst v63  }
0x27: {  	_ =	swait.ge [sflag:s22], $0x10  }
0x28: {  	[sflag:s22] =	ssyncset.done $0x0  }
0x29: {  	[sflag:s22] =	ssyncadd.s32 $0xFFFFFFF0  }
0x2a: {  	_ =	swait.ge [sflag:s23], $0x10  }
0x2b: {  	[sflag:s23] =	ssyncset.done $0x0  }
0x2c: {  	[sflag:s23] =	ssyncadd.s32 $0xFFFFFFF0  }
0x2d: {  	_ =	swait.ge [sflag:s19], $0x10  }
0x2e: {  	[sflag:s19] =	ssyncset.done $0x0  }
0x2f: {  	[sflag:s19] =	ssyncadd.s32 $0xFFFFFFF0  }
0x30: {  	_ =	swait.ge [sflag:s18], $0x10  }
0x31: {  	[sflag:s18] =	ssyncset.done $0x0  }
0x32: {  	[sflag:s18] =	ssyncadd.s32 $0xFFFFFFF0  }
0x33: {  	_ =	swait.ge [sflag:s16], $0x10  }
0x34: {  	[sflag:s16] =	ssyncset.done $0x0  }
0x35: {  	[sflag:s16] =	ssyncadd.s32 $0xFFFFFFF0  }
0x36: {  	_ =	swait.ge [sflag:s14], $0x10  }
0x37: {  	[sflag:s14] =	ssyncset.done $0x0  }
0x38: {  	[sflag:s14] =	ssyncadd.s32 $0xFFFFFFF0  }
0x39: {  	_ =	swait.ge [sflag:s12], $0x10  }
0x3a: {  	[sflag:s12] =	ssyncset.done $0x0  }
0x3b: {  	[sflag:s12] =	ssyncadd.s32 $0xFFFFFFF0  }
0x3c: {  	_ =	swait.ge [sflag:s10], $0x10  }
0x3d: {  	[sflag:s10] =	ssyncset.done $0x0  }
0x3e: {  	[sflag:s10] =	ssyncadd.s32 $0xFFFFFFF0  }
0x3f: {  	v1 =	vld [tilespmem:$0x300]  }
0x40: {  	v2 =	vld [tilespmem:$0x280]  }
0x41: {  	v3 =	vld [tilespmem:$0x0]  }
0x42: {  	v4 =	vld [tilespmem:$0x200]  }
0x43: {  	v5 =	vld [tilespmem:$0x80]  }
0x44: {  	v6 =	vld [tilespmem:$0x180];
	v1 =	vperm.xlane v1, v0  }
0x45: {  	v7 =	vld [tilespmem:$0x100];
	v2 =	vperm.xlane v2, v0  }
0x46: {  	p1 =	sne.s32 s30, $0x1;
	v8 =	vld [tilespmem:$0x380];
	v3 =	vperm.xlane v3, v0;
	[tilespmem:$0x700] =	vst v1  }
.Ltmp2:
0x47: {  	v1 =	vperm.xlane v4, v0;
	[tilespmem:$0x680] =	vst v2;
	(pc) =	sbr.rel @!p1 .LBB2_4-.Ltmp2, $4  }
0x48: {  	[tilespmem:$0x400] =	vst v3;
	v2 =	vperm.xlane v5, v0  }
0x49: {  	v3 =	vperm.xlane v6, v0;
	[tilespmem:$0x600] =	vst v1  }
0x4a: {  	[tilespmem:$0x480] =	vst v2;
	v1 =	vperm.xlane v7, v0  }
0x4b: {  	s30 =	sadd.s32 $0xFFFFFFFF, s30;
	p0 =	por $0x1, $0x1;
	[tilespmem:$0x580] =	vst v3;
	v2 =	vperm.xlane v8, v0  }
.LBB2_3:
0x4c: {  	p1 =	sne.s32 s30, $0x1;
	s30 =	sadd.s32 $0xFFFFFFFF, s30;
	[tilespmem:$0x500] =	vst v1  }
0x4d: {  	[tilespmem:$0x780] =	vst v2  }
0x4e: {  	[hbm4b:s3+s2] =	stream.linear.scatter [tilespmem:s4], [sflag:$0x9], $0x400, $0x38;
	[tilespmem:$0x800] =	vst v63  }
0x4f: {  	_ =	swait.ge [sflag:s5], $0x400  }
0x50: {  	[sflag:s5] =	ssyncset.done $0x0  }
0x51: {  	[sflag:s5] =	ssyncadd.s32 $0xFFFFFC00  }
0x52: {  	[tilespmem:s2], [sflag:$0x1] =	stream.linear.gather [hbm4b:s8+s2], $0x10, $0x38;
	[tilespmem:$0x800] =	vst v63  }
0x53: {  	_ = 	snop  }
0x54: {  	[tilespmem:s20], [sflag:$0x2] =	stream.linear.gather [hbm4b:s17+s2], $0x10, $0x38;
	[tilespmem:$0x800] =	vst v63  }
0x55: {  	_ = 	snop  }
0x56: {  	[tilespmem:s21], [sflag:$0x3] =	stream.linear.gather [hbm4b:s15+s2], $0x10, $0x38;
	[tilespmem:$0x800] =	vst v63  }
0x57: {  	_ = 	snop  }
0x58: {  	[tilespmem:s24], [sflag:$0x4] =	stream.linear.gather [hbm4b:s13+s2], $0x10, $0x38;
	[tilespmem:$0x800] =	vst v63  }
0x59: {  	_ = 	snop  }
0x5a: {  	[tilespmem:s25], [sflag:$0x5] =	stream.linear.gather [hbm4b:s11+s2], $0x10, $0x38;
	[tilespmem:$0x800] =	vst v63  }
0x5b: {  	_ = 	snop  }
0x5c: {  	[tilespmem:s26], [sflag:$0x6] =	stream.linear.gather [hbm4b:s9+s2], $0x10, $0x38;
	[tilespmem:$0x800] =	vst v63  }
0x5d: {  	_ = 	snop  }
0x5e: {  	[tilespmem:s28], [sflag:$0x7] =	stream.linear.gather [hbm4b:s7+s2], $0x10, $0x38;
	[tilespmem:$0x800] =	vst v63  }
0x5f: {  	_ = 	snop  }
0x60: {  	[tilespmem:s29], [sflag:$0x8] =	stream.linear.gather [hbm4b:s6+s2], $0x10, $0x38;
	[tilespmem:$0x800] =	vst v63  }
0x61: {  	_ =	swait.ge [sflag:s22], $0x10  }
0x62: {  	[sflag:s22] =	ssyncset.done $0x0  }
0x63: {  	[sflag:s22] =	ssyncadd.s32 $0xFFFFFFF0  }
0x64: {  	_ =	swait.ge [sflag:s23], $0x10  }
0x65: {  	[sflag:s23] =	ssyncset.done $0x0  }
0x66: {  	[sflag:s23] =	ssyncadd.s32 $0xFFFFFFF0  }
0x67: {  	_ =	swait.ge [sflag:s19], $0x10  }
0x68: {  	[sflag:s19] =	ssyncset.done $0x0  }
0x69: {  	[sflag:s19] =	ssyncadd.s32 $0xFFFFFFF0  }
0x6a: {  	_ =	swait.ge [sflag:s18], $0x10  }
0x6b: {  	[sflag:s18] =	ssyncset.done $0x0  }
0x6c: {  	[sflag:s18] =	ssyncadd.s32 $0xFFFFFFF0  }
0x6d: {  	_ =	swait.ge [sflag:s16], $0x10  }
0x6e: {  	[sflag:s16] =	ssyncset.done $0x0  }
0x6f: {  	[sflag:s16] =	ssyncadd.s32 $0xFFFFFFF0  }
0x70: {  	_ =	swait.ge [sflag:s14], $0x10  }
0x71: {  	[sflag:s14] =	ssyncset.done $0x0  }
0x72: {  	[sflag:s14] =	ssyncadd.s32 $0xFFFFFFF0  }
0x73: {  	_ =	swait.ge [sflag:s12], $0x10  }
0x74: {  	[sflag:s12] =	ssyncset.done $0x0  }
0x75: {  	[sflag:s12] =	ssyncadd.s32 $0xFFFFFFF0  }
0x76: {  	_ =	swait.ge [sflag:s10], $0x10  }
0x77: {  	[sflag:s10] =	ssyncset.done $0x0  }
0x78: {  	[sflag:s10] =	ssyncadd.s32 $0xFFFFFFF0  }
0x79: {  	v1 =	vld [tilespmem:$0x300]  }
0x7a: {  	v2 =	vld [tilespmem:$0x280]  }
0x7b: {  	v3 =	vld [tilespmem:$0x0]  }
0x7c: {  	v4 =	vld [tilespmem:$0x200]  }
0x7d: {  	v5 =	vld [tilespmem:$0x80]  }
0x7e: {  	v6 =	vld [tilespmem:$0x180];
	v1 =	vperm.xlane v1, v0  }
0x7f: {  	v7 =	vld [tilespmem:$0x100];
	v2 =	vperm.xlane v2, v0  }
0x80: {  	v3 =	vperm.xlane v3, v0;
	[tilespmem:$0x700] =	vst v1;
	v8 =	vld [tilespmem:$0x380]  }
.Ltmp3:
0x81: {  	v1 =	vperm.xlane v4, v0;
	[tilespmem:$0x680] =	vst v2;
	(pc) =	sbr.rel @p1 .LBB2_3-.Ltmp3, $4  }
0x82: {  	[tilespmem:$0x400] =	vst v3;
	v2 =	vperm.xlane v5, v0  }
0x83: {  	v3 =	vperm.xlane v6, v0;
	[tilespmem:$0x600] =	vst v1  }
0x84: {  	[tilespmem:$0x480] =	vst v2;
	v1 =	vperm.xlane v7, v0  }
0x85: {  	[tilespmem:$0x580] =	vst v3;
	v2 =	vperm.xlane v8, v0  }
.LBB2_4:
0x86: {  	[tilespmem:$0x500] =	vst @p0 v1  }
0x87: {  	[tilespmem:$0x780] =	vst @p0 v2  }
0x88: {  	[hbm4b:s3+s2] =	stream.linear.scatter @p0 [tilespmem:s4], [sflag:$0x9], $0x400, $0x38;
	[tilespmem:$0x800] =	vst v63  }
0x89: {  	_ =	swait.ge @p0 [sflag:s5], $0x400  }
0x8a: {  	[sflag:s5] =	ssyncset.done @p0 $0x0  }
0x8b: {  	[sflag:s5] =	ssyncadd.s32 @p0 $0xFFFFFC00  }
0x8c: {  	[tilespmem:s2], [sflag:$0x1] =	stream.linear.gather [hbm4b:s8+s2], $0x10, $0x38;
	[tilespmem:$0x800] =	vst v63  }
0x8d: {  	_ = 	snop  }
0x8e: {  	[tilespmem:s20], [sflag:$0x2] =	stream.linear.gather [hbm4b:s17+s2], $0x10, $0x38;
	[tilespmem:$0x800] =	vst v63  }
0x8f: {  	_ = 	snop  }
0x90: {  	[tilespmem:s21], [sflag:$0x3] =	stream.linear.gather [hbm4b:s15+s2], $0x10, $0x38;
	[tilespmem:$0x800] =	vst v63  }
0x91: {  	_ = 	snop  }
0x92: {  	[tilespmem:s24], [sflag:$0x4] =	stream.linear.gather [hbm4b:s13+s2], $0x10, $0x38;
	[tilespmem:$0x800] =	vst v63  }
0x93: {  	_ = 	snop  }
0x94: {  	[tilespmem:s25], [sflag:$0x5] =	stream.linear.gather [hbm4b:s11+s2], $0x10, $0x38;
	[tilespmem:$0x800] =	vst v63  }
0x95: {  	_ = 	snop  }
0x96: {  	[tilespmem:s26], [sflag:$0x6] =	stream.linear.gather [hbm4b:s9+s2], $0x10, $0x38;
	[tilespmem:$0x800] =	vst v63  }
0x97: {  	_ = 	snop  }
0x98: {  	[tilespmem:s28], [sflag:$0x7] =	stream.linear.gather [hbm4b:s7+s2], $0x10, $0x38;
	[tilespmem:$0x800] =	vst v63  }
0x99: {  	_ = 	snop  }
0x9a: {  	[tilespmem:s29], [sflag:$0x8] =	stream.linear.gather [hbm4b:s6+s2], $0x10, $0x38;
	[tilespmem:$0x800] =	vst v63  }
0x9b: {  	_ =	swait.ge [sflag:s22], $0x10  }
0x9c: {  	[sflag:s22] =	ssyncset.done $0x0  }
0x9d: {  	[sflag:s22] =	ssyncadd.s32 $0xFFFFFFF0  }
0x9e: {  	_ =	swait.ge [sflag:s23], $0x10  }
0x9f: {  	[sflag:s23] =	ssyncset.done $0x0  }
0xa0: {  	[sflag:s23] =	ssyncadd.s32 $0xFFFFFFF0  }
0xa1: {  	_ =	swait.ge [sflag:s19], $0x10  }
0xa2: {  	[sflag:s19] =	ssyncset.done $0x0  }
0xa3: {  	[sflag:s19] =	ssyncadd.s32 $0xFFFFFFF0  }
0xa4: {  	_ =	swait.ge [sflag:s18], $0x10  }
0xa5: {  	[sflag:s18] =	ssyncset.done $0x0  }
0xa6: {  	[sflag:s18] =	ssyncadd.s32 $0xFFFFFFF0  }
0xa7: {  	_ =	swait.ge [sflag:s16], $0x10  }
0xa8: {  	[sflag:s16] =	ssyncset.done $0x0  }
0xa9: {  	[sflag:s16] =	ssyncadd.s32 $0xFFFFFFF0  }
0xaa: {  	_ =	swait.ge [sflag:s14], $0x10  }
0xab: {  	[sflag:s14] =	ssyncset.done $0x0  }
0xac: {  	[sflag:s14] =	ssyncadd.s32 $0xFFFFFFF0  }
0xad: {  	_ =	swait.ge [sflag:s12], $0x10  }
0xae: {  	[sflag:s12] =	ssyncset.done $0x0  }
0xaf: {  	[sflag:s12] =	ssyncadd.s32 $0xFFFFFFF0  }
0xb0: {  	_ =	swait.ge [sflag:s10], $0x10  }
0xb1: {  	[sflag:s10] =	ssyncset.done $0x0  }
0xb2: {  	[sflag:s10] =	ssyncadd.s32 $0xFFFFFFF0  }
0xb3: {  	v57 =	vld [tilespmem:$0x300]  }
0xb4: {  	v58 =	vld [tilespmem:$0x280]  }
0xb5: {  	v3 =	vld [tilespmem:$0x0]  }
0xb6: {  	v4 =	vld [tilespmem:$0x200]  }
0xb7: {  	v5 =	vld [tilespmem:$0x80]  }
0xb8: {  	v6 =	vld [tilespmem:$0x180];
	v1 =	vperm.xlane v57, v0  }
0xb9: {  	v7 =	vld [tilespmem:$0x100];
	v2 =	vperm.xlane v58, v0  }
0xba: {  	v59 =	vld [tilespmem:$0x380];
	v3 =	vperm.xlane v3, v0;
	[tilespmem:$0x700] =	vst v1  }
0xbb: {  	v4 =	vperm.xlane v4, v0;
	[tilespmem:$0x680] =	vst v2  }
0xbc: {  	v60 =	vperm.xlane v5, v0;
	[tilespmem:$0x400] =	vst v3  }
0xbd: {  	v61 =	vperm.xlane v6, v0;
	[tilespmem:$0x600] =	vst v4  }
0xbe: {  	v62 =	vperm.xlane v7, v0;
	[tilespmem:$0x480] =	vst v60  }
0xbf: {  	v63 =	vperm.xlane v59, v0;
	[tilespmem:$0x580] =	vst v61  }
0xc0: {  	[tilespmem:$0x500] =	vst v62  }
0xc1: {  	[tilespmem:$0x780] =	vst v63  }
0xc2: {  	[hbm4b:s3+s2] =	stream.linear.scatter [tilespmem:s4], [sflag:$0x9], $0x400, $0x38;
	[tilespmem:$0x800] =	vst v63  }
0xc3: {  	_ =	swait.ge [sflag:s5], $0x400  }
0xc4: {  	[sflag:s5] =	ssyncset.done $0x0  }
0xc5: {  	[sflag:s5] =	ssyncadd.s32 $0xFFFFFC00  }
.LBB2_5:
0xc6: {  	_ =	sfence.sel $0x180000  }
0xc7: {  	[bflag:$0x0] =	sbarrier.arrive $0xFFFF  }
0xc8: {  	p0 =	sne.s32 s1, $0x0;
	_ =	strace $0x90000047  }
0xc9: {  	s0 =	sadd.s32 @!p0 $0x100000, s0;
	[bflag:$0x2] =	sbarrier.arrive $0xFFFF  }
0xca: {  	[sflag:s0] =	ssyncadd.tile.s32 @!p0 $0x1;
	_ =	shalt  }
.Lfunc_end2:
_tile_overlayer_lowered:
.L_overlay_start_2:
0xcb: {  	(tag) =	ssettag $0x2  }
0xcc: {  	s0 =	rddreg [dreg:$0x0];
	s2 =	stileid.u32  }
0xcd: {  	s1 =	rddreg [dreg:$0x1];
	p0 =	sne.s32 s2, $0x0  }
0xce: {  	s3 =	rddreg [dreg:$0x2];
	[bflag:$0x3] =	sbarrier.arrive $0xFFFF;
	s2 =	simm.s32 @!p0 $0x1C09  }
0xcf: {  	[timem:s3], [sflag:s2] =	dma.local @!p0 [hbm:s0], s1  }
0xd0: {  	s0 =	simm.s32 @!p0 $0x9  }
0xd1: {  	_ =	swait.ge @!p0 [sflag:s0], s1  }
0xd2: {  	s1 =	ssub.s32 @!p0 $0x0, s1;
	[sflag:s0] =	ssyncset.done @!p0 $0x0  }
0xd3: {  	[sflag:s0] =	ssyncadd.s32 @!p0 s1  }
0xd4: {  	[bflag:$0x3] =	sbarrier.arrive $0xFFFF  }
0xd5: {  	_ =	shalt  }

</sc_bundles>
